<compile_context>
chip_gen: v7x
topology: tpu7x:2x2x1
jax: 0.10.2.dev20260603
libtpu: 0.0.44.dev20260713+nightly
codegen_flags: <defaults>
</compile_context>

<pallas_src>
import functools

import jax
import jax.numpy as jnp
from jax import lax
from jax.experimental import pallas as pl
from jax.experimental.pallas import tpu as pltpu
from jax.experimental.pallas import tpu_sc as plsc

N, D, K = 16384, 128, 1024
BLK = 4096
IDX_CHUNK = 128


def _assign_body(z_ref, c_ref, zn_ref, cn_ref, idx_ref):
    c = c_ref[...]
    z = z_ref[...]
    c2 = c * 2.0
    zn = zn_ref[...]
    cn = cn_ref[...]
    KB = 128
    val = None
    gid = None
    for kb in range(K // KB):
        a = lax.dot_general(
            c2[kb * KB:(kb + 1) * KB], z, (((1,), (1,)), ((), ())),
            preferred_element_type=jnp.float32,
        )
        sk = (a - zn) - cn[kb * KB:(kb + 1) * KB]
        for r in range(KB // 8):
            cur = sk[r * 8:(r + 1) * 8]
            g = kb * (KB // 8) + r
            if val is None:
                val = cur
                gid = jnp.zeros(cur.shape, jnp.int32)
            else:
                p = cur > val
                val = jnp.maximum(cur, val)
                gid = jnp.where(p, g, gid)
    k8 = gid * 8 + lax.broadcasted_iota(jnp.int32, val.shape, 0)
    m8 = jnp.max(val, axis=0, keepdims=True)
    first = jnp.min(jnp.where(val == m8, k8, K), axis=0)
    idx_ref[0, 0, :] = first.astype(jnp.int32)


def _assign(z, centroids, zn, cn):
    grid = N // BLK
    return pl.pallas_call(
        _assign_body,
        grid=(grid,),
        in_specs=[
            pl.BlockSpec((BLK, D), lambda i: (i, 0)),
            pl.BlockSpec((K, D), lambda i: (0, 0)),
            pl.BlockSpec((1, BLK), lambda i: (0, i)),
            pl.BlockSpec((K, 1), lambda i: (0, 0)),
        ],
        out_specs=pl.BlockSpec((1, 1, BLK), lambda i: (i, 0, 0)),
        out_shape=jax.ShapeDtypeStruct((grid, 1, BLK), jnp.int32),
    )(z, centroids, zn, cn)


def _sc_gather(centroids, idx):
    try:
        info = plsc.get_sparse_core_info()
        nc, ns = info.num_cores, info.num_subcores
    except Exception:
        nc, ns = 2, 16
    nw = nc * ns
    b_per_w = N // nw
    n_chunks = b_per_w // IDX_CHUNK
    idx3 = idx.reshape(nw, n_chunks, IDX_CHUNK)

    @functools.partial(
        pl.kernel,
        out_type=jax.ShapeDtypeStruct((N, D), jnp.float32),
        mesh=plsc.VectorSubcoreMesh(core_axis_name="c", subcore_axis_name="s"),
        scratch_types=[
            pltpu.VMEM((n_chunks, IDX_CHUNK), jnp.int32),
            pltpu.VMEM((b_per_w, D), jnp.float32),
            pltpu.VMEM_SHARED((K, D), jnp.float32),
            pltpu.SemaphoreType.DMA,
            pltpu.SemaphoreType.DMA,
        ],
    )
    def gather(c_hbm, idx_hbm, out_hbm, idx_v, rows_v, c_sp, sem, wsem):
        sid = lax.axis_index("s")
        wid = sid * nc + lax.axis_index("c")
        base = wid * b_per_w
        rows_per_tile = K // ns
        stage = pltpu.async_copy(
            c_hbm.at[pl.ds(sid * rows_per_tile, rows_per_tile)],
            c_sp.at[pl.ds(sid * rows_per_tile, rows_per_tile)],
            wsem,
        )
        pltpu.sync_copy(idx_hbm.at[wid], idx_v)
        stage.wait()
        plsc.subcore_barrier()
        copies = [
            pltpu.async_copy(
                c_sp.at[idx_v.at[j]],
                rows_v.at[pl.ds(j * IDX_CHUNK, IDX_CHUNK)],
                sem,
            )
            for j in range(n_chunks)
        ]
        writes = []
        for j, cp in enumerate(copies):
            cp.wait()
            writes.append(pltpu.async_copy(
                rows_v.at[pl.ds(j * IDX_CHUNK, IDX_CHUNK)],
                out_hbm.at[pl.ds(base + j * IDX_CHUNK, IDX_CHUNK)],
                wsem,
            ))
        for wr in writes:
            wr.wait()

    return gather(centroids, idx3)


def kernel(z, centroids):
    zn = (z ** 2).sum(axis=1).reshape(1, N)
    cn = (centroids ** 2).sum(axis=1, keepdims=True)
    idx = _assign(z, centroids, zn, cn)
    return _sc_gather(centroids, idx.reshape(N))

# --- scband reference (transcript-rebuilt; emitter-appended) ---
"""Pipeline reference for scband-asar-51659866636384 (READ-ONLY COPY).

The authoritative reference and input builder live on the scoring server;
editing this copy changes nothing except your own understanding.
"""

import jax, jax.numpy as jnp
import numpy as np


def euc_sim(a, b):
    # Faithful to KMeans.euc_sim: 2*a@b^T - ||a||^2 - ||b||^2
    return 2.0 * (a @ b.T) - (a ** 2).sum(axis=1)[:, None] - (b ** 2).sum(axis=1)[None, :]


def setup_inputs(seed: int = 0) -> dict:
    key = jax.random.key(seed)
    k1, k2 = jax.random.split(key)
    z = jax.random.normal(k1, (16384, 128), dtype=jnp.float32)
    # learned codebook / KMeans centroids (n_clusters=1024, feature_dim=128)
    centroids = jax.random.normal(k2, (1024, 128), dtype=jnp.float32)
    return {"z": z, "centroids": centroids}


def reference(z, centroids):
    # KMeans.predict (euclidean mode): assign each feature vector to the
    # nearest centroid, then gather the corresponding codebook entry (VQ).
    sim = euc_sim(z, centroids)                 # [N, K]
    closest = jnp.argmax(sim, axis=-1)          # [N] int, max similarity index
    quantized = jnp.take(centroids, closest, axis=0)  # [N, d] codebook gather
    return quantized

if __name__ == "__main__":
    import jax
    _d = setup_inputs()
    print(jax.jit(kernel)(*tuple(_d.values())))

</pallas_src>

<mosaic_0001>
#map = affine_map<(d0, d1) -> (0, 0)>
#map1 = affine_map<(d0, d1) -> (0, 0, 0)>
module attributes {stable_mosaic.version = 14 : i64} {
  func.func @gather(%arg0: i32, %arg1: i32, %arg2: memref<1024x128xf32, #tpu.memory_space<hbm>>, %arg3: memref<32x4x128xi32, #tpu.memory_space<hbm>>, %arg4: memref<16384x128xf32, #tpu.memory_space<hbm>>, %arg5: memref<4x128xi32, #tpu.memory_space<vmem>>, %arg6: memref<512x128xf32, #tpu.memory_space<vmem>>, %arg7: memref<1024x128xf32, #tpu.memory_space<vmem_shared>>, %arg8: memref<!tpu.dma_semaphore, #tpu.memory_space<semaphore_mem>>, %arg9: memref<!tpu.dma_semaphore, #tpu.memory_space<semaphore_mem>>) attributes {dimension_semantics = [#tpu.dimension_semantics<core_parallel>, #tpu.dimension_semantics<subcore_parallel>], iteration_bounds = array<i64: 2, 16>, scalar_prefetch = 0 : i64, scratch_operands = 5 : i64, tpu.core_type = #tpu.core_type<sc_vector_subcore>, window_params = [{transform_indices = #map}, {transform_indices = #map1}, {transform_indices = #map}]} {
    %mul3A = arith.constant 2 : i32
    %mul3A_0 = arith.muli %arg1, %mul3A : i32
    %add3A = arith.addi %mul3A_0, %arg0 : i32
    %mul3A_1 = arith.constant 512 : i32
    %mul3A_2 = arith.muli %add3A, %mul3A_1 : i32
    %mul3A_3 = arith.constant 64 : i32
    %mul3A_4 = arith.muli %arg1, %mul3A_3 : i32
    %mul3A_5 = arith.constant 64 : i32
    %mul3A_6 = arith.muli %arg1, %mul3A_5 : i32
    %dma_start3A = arith.constant 0 : i32
    %dma_start3A_7 = tpu.memref_slice %arg7[%mul3A_6, %dma_start3A] : memref<1024x128xf32, #tpu.memory_space<vmem_shared>> -> memref<64x128xf32, #tpu.memory_space<vmem_shared>>
    %dma_start3A_8 = arith.constant 0 : i32
    %dma_start3A_9 = tpu.memref_slice %arg2[%mul3A_4, %dma_start3A_8] : memref<1024x128xf32, #tpu.memory_space<hbm>> -> memref<64x128xf32, #tpu.memory_space<hbm>>
    tpu.enqueue_dma source(%dma_start3A_9 : memref<64x128xf32, #tpu.memory_space<hbm>>) target(%dma_start3A_7 : memref<64x128xf32, #tpu.memory_space<vmem_shared>>) target_semaphore(%arg9 : memref<!tpu.dma_semaphore, #tpu.memory_space<semaphore_mem>>)
    "tpu.region"() ({
      %run_scoped3A = tpu.sem_alloc : memref<!tpu.dma_semaphore, #tpu.memory_space<semaphore_mem>>
      %dma_start3A_181 = arith.constant 0 : i32
      %dma_start3A_182 = arith.constant 0 : i32
      %dma_start3A_183 = tpu.memref_slice %arg3[%add3A, %dma_start3A_181, %dma_start3A_182] : memref<32x4x128xi32, #tpu.memory_space<hbm>> -> memref<1x4x128xi32, #tpu.memory_space<hbm>>
      %dma_start3A_184 = tpu.memref_squeeze %dma_start3A_183 : memref<1x4x128xi32, #tpu.memory_space<hbm>> -> memref<4x128xi32, #tpu.memory_space<hbm>>
      %dma_start3A_185 = arith.constant 0 : i32
      %dma_start3A_186 = arith.constant 0 : i32
      %dma_start3A_187 = tpu.memref_slice %arg3[%add3A, %dma_start3A_185, %dma_start3A_186] : memref<32x4x128xi32, #tpu.memory_space<hbm>> -> memref<1x4x128xi32, #tpu.memory_space<hbm>>
      %dma_start3A_188 = tpu.memref_squeeze %dma_start3A_187 : memref<1x4x128xi32, #tpu.memory_space<hbm>> -> memref<4x128xi32, #tpu.memory_space<hbm>>
      tpu.enqueue_dma source(%dma_start3A_188 : memref<4x128xi32, #tpu.memory_space<hbm>>) target(%arg5 : memref<4x128xi32, #tpu.memory_space<vmem>>) target_semaphore(%run_scoped3A : memref<!tpu.dma_semaphore, #tpu.memory_space<semaphore_mem>>)
      %dma_wait3A_189 = arith.constant 0 : i32
      %dma_wait3A_190 = arith.constant 0 : i32
      %dma_wait3A_191 = tpu.memref_slice %arg3[%add3A, %dma_wait3A_189, %dma_wait3A_190] : memref<32x4x128xi32, #tpu.memory_space<hbm>> -> memref<1x4x128xi32, #tpu.memory_space<hbm>>
      %dma_wait3A_192 = tpu.memref_squeeze %dma_wait3A_191 : memref<1x4x128xi32, #tpu.memory_space<hbm>> -> memref<4x128xi32, #tpu.memory_space<hbm>>
      %dma_wait3A_193 = arith.constant 0 : i32
      %dma_wait3A_194 = arith.constant 0 : i32
      %dma_wait3A_195 = tpu.memref_slice %arg3[%add3A, %dma_wait3A_193, %dma_wait3A_194] : memref<32x4x128xi32, #tpu.memory_space<hbm>> -> memref<1x4x128xi32, #tpu.memory_space<hbm>>
      %dma_wait3A_196 = tpu.memref_squeeze %dma_wait3A_195 : memref<1x4x128xi32, #tpu.memory_space<hbm>> -> memref<4x128xi32, #tpu.memory_space<hbm>>
      tpu.wait_dma2 semaphore(%run_scoped3A : memref<!tpu.dma_semaphore, #tpu.memory_space<semaphore_mem>>) src(%dma_wait3A_196 : memref<4x128xi32, #tpu.memory_space<hbm>>) dst(%arg5 : memref<4x128xi32, #tpu.memory_space<vmem>>)
      tpu.yield
    }) : () -> ()
    %dma_wait3A = arith.constant 0 : i32
    %dma_wait3A_10 = tpu.memref_slice %arg7[%mul3A_6, %dma_wait3A] : memref<1024x128xf32, #tpu.memory_space<vmem_shared>> -> memref<64x128xf32, #tpu.memory_space<vmem_shared>>
    %dma_wait3A_11 = arith.constant 0 : i32
    %dma_wait3A_12 = tpu.memref_slice %arg2[%mul3A_4, %dma_wait3A_11] : memref<1024x128xf32, #tpu.memory_space<hbm>> -> memref<64x128xf32, #tpu.memory_space<hbm>>
    tpu.wait_dma2 semaphore(%arg9 : memref<!tpu.dma_semaphore, #tpu.memory_space<semaphore_mem>>) src(%dma_wait3A_12 : memref<64x128xf32, #tpu.memory_space<hbm>>) dst(%dma_wait3A_10 : memref<64x128xf32, #tpu.memory_space<vmem_shared>>)
    %barrier3A = arith.constant 0 : index
    tpu.barrier barrier_id(%barrier3A)
    %dma_start3A_13 = arith.constant 0 : i32
    %dma_start3A_14 = arith.constant 0 : i32
    %dma_start3A_15 = arith.constant 0 : i32
    %dma_start3A_16 = tpu.memref_slice %arg6[%dma_start3A_14, %dma_start3A_15] : memref<512x128xf32, #tpu.memory_space<vmem>> -> memref<128x128xf32, #tpu.memory_space<vmem>>
    %dma_start3A_17 = arith.constant 0 : i32
    %dma_start3A_18 = tpu.memref_slice %arg5[%dma_start3A_13, %dma_start3A_17] : memref<4x128xi32, #tpu.memory_space<vmem>> -> memref<1x128xi32, #tpu.memory_space<vmem>>
    %dma_start3A_19 = tpu.memref_squeeze %dma_start3A_18 : memref<1x128xi32, #tpu.memory_space<vmem>> -> memref<128xi32, #tpu.memory_space<vmem>>
    %dma_start3A_20 = arith.constant 0 : i32
    %dma_start3A_21 = arith.constant 0 : i32
    %dma_start3A_22 = tpu.memref_slice %arg7[%dma_start3A_20, %dma_start3A_21] : memref<1024x128xf32, #tpu.memory_space<vmem_shared>> -> memref<1024x128xf32, #tpu.memory_space<vmem_shared>>
    tpu.enqueue_indirect_dma source(%dma_start3A_22 : memref<1024x128xf32, #tpu.memory_space<vmem_shared>>) target(%dma_start3A_16 : memref<128x128xf32, #tpu.memory_space<vmem>>) offsets(%dma_start3A_19 : memref<128xi32, #tpu.memory_space<vmem>>) semaphore(%arg8 : memref<!tpu.dma_semaphore, #tpu.memory_space<semaphore_mem>>)
    %dma_start3A_23 = arith.constant 1 : i32
    %dma_start3A_24 = arith.constant 128 : i32
    %dma_start3A_25 = arith.constant 0 : i32
    %dma_start3A_26 = tpu.memref_slice %arg6[%dma_start3A_24, %dma_start3A_25] : memref<512x128xf32, #tpu.memory_space<vmem>> -> memref<128x128xf32, #tpu.memory_space<vmem>>
    %dma_start3A_27 = arith.constant 0 : i32
    %dma_start3A_28 = tpu.memref_slice %arg5[%dma_start3A_23, %dma_start3A_27] : memref<4x128xi32, #tpu.memory_space<vmem>> -> memref<1x128xi32, #tpu.memory_space<vmem>>
    %dma_start3A_29 = tpu.memref_squeeze %dma_start3A_28 : memref<1x128xi32, #tpu.memory_space<vmem>> -> memref<128xi32, #tpu.memory_space<vmem>>
    %dma_start3A_30 = arith.constant 0 : i32
    %dma_start3A_31 = arith.constant 0 : i32
    %dma_start3A_32 = tpu.memref_slice %arg7[%dma_start3A_30, %dma_start3A_31] : memref<1024x128xf32, #tpu.memory_space<vmem_shared>> -> memref<1024x128xf32, #tpu.memory_space<vmem_shared>>
    tpu.enqueue_indirect_dma source(%dma_start3A_32 : memref<1024x128xf32, #tpu.memory_space<vmem_shared>>) target(%dma_start3A_26 : memref<128x128xf32, #tpu.memory_space<vmem>>) offsets(%dma_start3A_29 : memref<128xi32, #tpu.memory_space<vmem>>) semaphore(%arg8 : memref<!tpu.dma_semaphore, #tpu.memory_space<semaphore_mem>>)
    %dma_start3A_33 = arith.constant 2 : i32
    %dma_start3A_34 = arith.constant 256 : i32
    %dma_start3A_35 = arith.constant 0 : i32
    %dma_start3A_36 = tpu.memref_slice %arg6[%dma_start3A_34, %dma_start3A_35] : memref<512x128xf32, #tpu.memory_space<vmem>> -> memref<128x128xf32, #tpu.memory_space<vmem>>
    %dma_start3A_37 = arith.constant 0 : i32
    %dma_start3A_38 = tpu.memref_slice %arg5[%dma_start3A_33, %dma_start3A_37] : memref<4x128xi32, #tpu.memory_space<vmem>> -> memref<1x128xi32, #tpu.memory_space<vmem>>
    %dma_start3A_39 = tpu.memref_squeeze %dma_start3A_38 : memref<1x128xi32, #tpu.memory_space<vmem>> -> memref<128xi32, #tpu.memory_space<vmem>>
    %dma_start3A_40 = arith.constant 0 : i32
    %dma_start3A_41 = arith.constant 0 : i32
    %dma_start3A_42 = tpu.memref_slice %arg7[%dma_start3A_40, %dma_start3A_41] : memref<1024x128xf32, #tpu.memory_space<vmem_shared>> -> memref<1024x128xf32, #tpu.memory_space<vmem_shared>>
    tpu.enqueue_indirect_dma source(%dma_start3A_42 : memref<1024x128xf32, #tpu.memory_space<vmem_shared>>) target(%dma_start3A_36 : memref<128x128xf32, #tpu.memory_space<vmem>>) offsets(%dma_start3A_39 : memref<128xi32, #tpu.memory_space<vmem>>) semaphore(%arg8 : memref<!tpu.dma_semaphore, #tpu.memory_space<semaphore_mem>>)
    %dma_start3A_43 = arith.constant 3 : i32
    %dma_start3A_44 = arith.constant 384 : i32
    %dma_start3A_45 = arith.constant 0 : i32
    %dma_start3A_46 = tpu.memref_slice %arg6[%dma_start3A_44, %dma_start3A_45] : memref<512x128xf32, #tpu.memory_space<vmem>> -> memref<128x128xf32, #tpu.memory_space<vmem>>
    %dma_start3A_47 = arith.constant 0 : i32
    %dma_start3A_48 = tpu.memref_slice %arg5[%dma_start3A_43, %dma_start3A_47] : memref<4x128xi32, #tpu.memory_space<vmem>> -> memref<1x128xi32, #tpu.memory_space<vmem>>
    %dma_start3A_49 = tpu.memref_squeeze %dma_start3A_48 : memref<1x128xi32, #tpu.memory_space<vmem>> -> memref<128xi32, #tpu.memory_space<vmem>>
    %dma_start3A_50 = arith.constant 0 : i32
    %dma_start3A_51 = arith.constant 0 : i32
    %dma_start3A_52 = tpu.memref_slice %arg7[%dma_start3A_50, %dma_start3A_51] : memref<1024x128xf32, #tpu.memory_space<vmem_shared>> -> memref<1024x128xf32, #tpu.memory_space<vmem_shared>>
    tpu.enqueue_indirect_dma source(%dma_start3A_52 : memref<1024x128xf32, #tpu.memory_space<vmem_shared>>) target(%dma_start3A_46 : memref<128x128xf32, #tpu.memory_space<vmem>>) offsets(%dma_start3A_49 : memref<128xi32, #tpu.memory_space<vmem>>) semaphore(%arg8 : memref<!tpu.dma_semaphore, #tpu.memory_space<semaphore_mem>>)
    %dma_wait3A_53 = arith.constant 0 : i32
    %dma_wait3A_54 = arith.constant 0 : i32
    %dma_wait3A_55 = arith.constant 0 : i32
    %dma_wait3A_56 = tpu.memref_slice %arg6[%dma_wait3A_54, %dma_wait3A_55] : memref<512x128xf32, #tpu.memory_space<vmem>> -> memref<128x128xf32, #tpu.memory_space<vmem>>
    %dma_wait3A_57 = arith.constant 0 : i32
    %dma_wait3A_58 = tpu.memref_slice %arg5[%dma_wait3A_53, %dma_wait3A_57] : memref<4x128xi32, #tpu.memory_space<vmem>> -> memref<1x128xi32, #tpu.memory_space<vmem>>
    %dma_wait3A_59 = tpu.memref_squeeze %dma_wait3A_58 : memref<1x128xi32, #tpu.memory_space<vmem>> -> memref<128xi32, #tpu.memory_space<vmem>>
    %dma_wait3A_60 = arith.constant 0 : i32
    %dma_wait3A_61 = arith.constant 0 : i32
    %dma_wait3A_62 = tpu.memref_slice %arg7[%dma_wait3A_60, %dma_wait3A_61] : memref<1024x128xf32, #tpu.memory_space<vmem_shared>> -> memref<1024x128xf32, #tpu.memory_space<vmem_shared>>
    tpu.wait_indirect_dma semaphore(%arg8 : memref<!tpu.dma_semaphore, #tpu.memory_space<semaphore_mem>>) src(%dma_wait3A_62 : memref<1024x128xf32, #tpu.memory_space<vmem_shared>>) dst(%dma_wait3A_56 : memref<128x128xf32, #tpu.memory_space<vmem>>)
    %add3A_63 = arith.constant 0 : i32
    %add3A_64 = arith.addi %mul3A_2, %add3A_63 : i32
    %dma_start3A_65 = arith.constant 0 : i32
    %dma_start3A_66 = arith.constant 0 : i32
    %dma_start3A_67 = tpu.memref_slice %arg6[%dma_start3A_65, %dma_start3A_66] : memref<512x128xf32, #tpu.memory_space<vmem>> -> memref<128x128xf32, #tpu.memory_space<vmem>>
    %dma_start3A_68 = arith.constant 0 : i32
    %dma_start3A_69 = tpu.memref_slice %arg4[%add3A_64, %dma_start3A_68] : memref<16384x128xf32, #tpu.memory_space<hbm>> -> memref<128x128xf32, #tpu.memory_space<hbm>>
    %dma_start3A_70 = arith.constant 0 : i32
    %dma_start3A_71 = tpu.memref_slice %arg4[%add3A_64, %dma_start3A_70] : memref<16384x128xf32, #tpu.memory_space<hbm>> -> memref<128x128xf32, #tpu.memory_space<hbm>>
    %dma_start3A_72 = arith.constant 0 : i32
    %dma_start3A_73 = arith.constant 0 : i32
    %dma_start3A_74 = tpu.memref_slice %arg6[%dma_start3A_72, %dma_start3A_73] : memref<512x128xf32, #tpu.memory_space<vmem>> -> memref<128x128xf32, #tpu.memory_space<vmem>>
    tpu.enqueue_dma source(%dma_start3A_74 : memref<128x128xf32, #tpu.memory_space<vmem>>) target(%dma_start3A_71 : memref<128x128xf32, #tpu.memory_space<hbm>>) target_semaphore(%arg9 : memref<!tpu.dma_semaphore, #tpu.memory_space<semaphore_mem>>)
    %dma_wait3A_75 = arith.constant 1 : i32
    %dma_wait3A_76 = arith.constant 128 : i32
    %dma_wait3A_77 = arith.constant 0 : i32
    %dma_wait3A_78 = tpu.memref_slice %arg6[%dma_wait3A_76, %dma_wait3A_77] : memref<512x128xf32, #tpu.memory_space<vmem>> -> memref<128x128xf32, #tpu.memory_space<vmem>>
    %dma_wait3A_79 = arith.constant 0 : i32
    %dma_wait3A_80 = tpu.memref_slice %arg5[%dma_wait3A_75, %dma_wait3A_79] : memref<4x128xi32, #tpu.memory_space<vmem>> -> memref<1x128xi32, #tpu.memory_space<vmem>>
    %dma_wait3A_81 = tpu.memref_squeeze %dma_wait3A_80 : memref<1x128xi32, #tpu.memory_space<vmem>> -> memref<128xi32, #tpu.memory_space<vmem>>
    %dma_wait3A_82 = arith.constant 0 : i32
    %dma_wait3A_83 = arith.constant 0 : i32
    %dma_wait3A_84 = tpu.memref_slice %arg7[%dma_wait3A_82, %dma_wait3A_83] : memref<1024x128xf32, #tpu.memory_space<vmem_shared>> -> memref<1024x128xf32, #tpu.memory_space<vmem_shared>>
    tpu.wait_indirect_dma semaphore(%arg8 : memref<!tpu.dma_semaphore, #tpu.memory_space<semaphore_mem>>) src(%dma_wait3A_84 : memref<1024x128xf32, #tpu.memory_space<vmem_shared>>) dst(%dma_wait3A_78 : memref<128x128xf32, #tpu.memory_space<vmem>>)
    %add3A_85 = arith.constant 128 : i32
    %add3A_86 = arith.addi %mul3A_2, %add3A_85 : i32
    %dma_start3A_87 = arith.constant 128 : i32
    %dma_start3A_88 = arith.constant 0 : i32
    %dma_start3A_89 = tpu.memref_slice %arg6[%dma_start3A_87, %dma_start3A_88] : memref<512x128xf32, #tpu.memory_space<vmem>> -> memref<128x128xf32, #tpu.memory_space<vmem>>
    %dma_start3A_90 = arith.constant 0 : i32
    %dma_start3A_91 = tpu.memref_slice %arg4[%add3A_86, %dma_start3A_90] : memref<16384x128xf32, #tpu.memory_space<hbm>> -> memref<128x128xf32, #tpu.memory_space<hbm>>
    %dma_start3A_92 = arith.constant 0 : i32
    %dma_start3A_93 = tpu.memref_slice %arg4[%add3A_86, %dma_start3A_92] : memref<16384x128xf32, #tpu.memory_space<hbm>> -> memref<128x128xf32, #tpu.memory_space<hbm>>
    %dma_start3A_94 = arith.constant 128 : i32
    %dma_start3A_95 = arith.constant 0 : i32
    %dma_start3A_96 = tpu.memref_slice %arg6[%dma_start3A_94, %dma_start3A_95] : memref<512x128xf32, #tpu.memory_space<vmem>> -> memref<128x128xf32, #tpu.memory_space<vmem>>
    tpu.enqueue_dma source(%dma_start3A_96 : memref<128x128xf32, #tpu.memory_space<vmem>>) target(%dma_start3A_93 : memref<128x128xf32, #tpu.memory_space<hbm>>) target_semaphore(%arg9 : memref<!tpu.dma_semaphore, #tpu.memory_space<semaphore_mem>>)
    %dma_wait3A_97 = arith.constant 2 : i32
    %dma_wait3A_98 = arith.constant 256 : i32
    %dma_wait3A_99 = arith.constant 0 : i32
    %dma_wait3A_100 = tpu.memref_slice %arg6[%dma_wait3A_98, %dma_wait3A_99] : memref<512x128xf32, #tpu.memory_space<vmem>> -> memref<128x128xf32, #tpu.memory_space<vmem>>
    %dma_wait3A_101 = arith.constant 0 : i32
    %dma_wait3A_102 = tpu.memref_slice %arg5[%dma_wait3A_97, %dma_wait3A_101] : memref<4x128xi32, #tpu.memory_space<vmem>> -> memref<1x128xi32, #tpu.memory_space<vmem>>
    %dma_wait3A_103 = tpu.memref_squeeze %dma_wait3A_102 : memref<1x128xi32, #tpu.memory_space<vmem>> -> memref<128xi32, #tpu.memory_space<vmem>>
    %dma_wait3A_104 = arith.constant 0 : i32
    %dma_wait3A_105 = arith.constant 0 : i32
    %dma_wait3A_106 = tpu.memref_slice %arg7[%dma_wait3A_104, %dma_wait3A_105] : memref<1024x128xf32, #tpu.memory_space<vmem_shared>> -> memref<1024x128xf32, #tpu.memory_space<vmem_shared>>
    tpu.wait_indirect_dma semaphore(%arg8 : memref<!tpu.dma_semaphore, #tpu.memory_space<semaphore_mem>>) src(%dma_wait3A_106 : memref<1024x128xf32, #tpu.memory_space<vmem_shared>>) dst(%dma_wait3A_100 : memref<128x128xf32, #tpu.memory_space<vmem>>)
    %add3A_107 = arith.constant 256 : i32
    %add3A_108 = arith.addi %mul3A_2, %add3A_107 : i32
    %dma_start3A_109 = arith.constant 256 : i32
    %dma_start3A_110 = arith.constant 0 : i32
    %dma_start3A_111 = tpu.memref_slice %arg6[%dma_start3A_109, %dma_start3A_110] : memref<512x128xf32, #tpu.memory_space<vmem>> -> memref<128x128xf32, #tpu.memory_space<vmem>>
    %dma_start3A_112 = arith.constant 0 : i32
    %dma_start3A_113 = tpu.memref_slice %arg4[%add3A_108, %dma_start3A_112] : memref<16384x128xf32, #tpu.memory_space<hbm>> -> memref<128x128xf32, #tpu.memory_space<hbm>>
    %dma_start3A_114 = arith.constant 0 : i32
    %dma_start3A_115 = tpu.memref_slice %arg4[%add3A_108, %dma_start3A_114] : memref<16384x128xf32, #tpu.memory_space<hbm>> -> memref<128x128xf32, #tpu.memory_space<hbm>>
    %dma_start3A_116 = arith.constant 256 : i32
    %dma_start3A_117 = arith.constant 0 : i32
    %dma_start3A_118 = tpu.memref_slice %arg6[%dma_start3A_116, %dma_start3A_117] : memref<512x128xf32, #tpu.memory_space<vmem>> -> memref<128x128xf32, #tpu.memory_space<vmem>>
    tpu.enqueue_dma source(%dma_start3A_118 : memref<128x128xf32, #tpu.memory_space<vmem>>) target(%dma_start3A_115 : memref<128x128xf32, #tpu.memory_space<hbm>>) target_semaphore(%arg9 : memref<!tpu.dma_semaphore, #tpu.memory_space<semaphore_mem>>)
    %dma_wait3A_119 = arith.constant 3 : i32
    %dma_wait3A_120 = arith.constant 384 : i32
    %dma_wait3A_121 = arith.constant 0 : i32
    %dma_wait3A_122 = tpu.memref_slice %arg6[%dma_wait3A_120, %dma_wait3A_121] : memref<512x128xf32, #tpu.memory_space<vmem>> -> memref<128x128xf32, #tpu.memory_space<vmem>>
    %dma_wait3A_123 = arith.constant 0 : i32
    %dma_wait3A_124 = tpu.memref_slice %arg5[%dma_wait3A_119, %dma_wait3A_123] : memref<4x128xi32, #tpu.memory_space<vmem>> -> memref<1x128xi32, #tpu.memory_space<vmem>>
    %dma_wait3A_125 = tpu.memref_squeeze %dma_wait3A_124 : memref<1x128xi32, #tpu.memory_space<vmem>> -> memref<128xi32, #tpu.memory_space<vmem>>
    %dma_wait3A_126 = arith.constant 0 : i32
    %dma_wait3A_127 = arith.constant 0 : i32
    %dma_wait3A_128 = tpu.memref_slice %arg7[%dma_wait3A_126, %dma_wait3A_127] : memref<1024x128xf32, #tpu.memory_space<vmem_shared>> -> memref<1024x128xf32, #tpu.memory_space<vmem_shared>>
    tpu.wait_indirect_dma semaphore(%arg8 : memref<!tpu.dma_semaphore, #tpu.memory_space<semaphore_mem>>) src(%dma_wait3A_128 : memref<1024x128xf32, #tpu.memory_space<vmem_shared>>) dst(%dma_wait3A_122 : memref<128x128xf32, #tpu.memory_space<vmem>>)
    %add3A_129 = arith.constant 384 : i32
    %add3A_130 = arith.addi %mul3A_2, %add3A_129 : i32
    %dma_start3A_131 = arith.constant 384 : i32
    %dma_start3A_132 = arith.constant 0 : i32
    %dma_start3A_133 = tpu.memref_slice %arg6[%dma_start3A_131, %dma_start3A_132] : memref<512x128xf32, #tpu.memory_space<vmem>> -> memref<128x128xf32, #tpu.memory_space<vmem>>
    %dma_start3A_134 = arith.constant 0 : i32
    %dma_start3A_135 = tpu.memref_slice %arg4[%add3A_130, %dma_start3A_134] : memref<16384x128xf32, #tpu.memory_space<hbm>> -> memref<128x128xf32, #tpu.memory_space<hbm>>
    %dma_start3A_136 = arith.constant 0 : i32
    %dma_start3A_137 = tpu.memref_slice %arg4[%add3A_130, %dma_start3A_136] : memref<16384x128xf32, #tpu.memory_space<hbm>> -> memref<128x128xf32, #tpu.memory_space<hbm>>
    %dma_start3A_138 = arith.constant 384 : i32
    %dma_start3A_139 = arith.constant 0 : i32
    %dma_start3A_140 = tpu.memref_slice %arg6[%dma_start3A_138, %dma_start3A_139] : memref<512x128xf32, #tpu.memory_space<vmem>> -> memref<128x128xf32, #tpu.memory_space<vmem>>
    tpu.enqueue_dma source(%dma_start3A_140 : memref<128x128xf32, #tpu.memory_space<vmem>>) target(%dma_start3A_137 : memref<128x128xf32, #tpu.memory_space<hbm>>) target_semaphore(%arg9 : memref<!tpu.dma_semaphore, #tpu.memory_space<semaphore_mem>>)
    %dma_wait3A_141 = arith.constant 0 : i32
    %dma_wait3A_142 = arith.constant 0 : i32
    %dma_wait3A_143 = tpu.memref_slice %arg6[%dma_wait3A_141, %dma_wait3A_142] : memref<512x128xf32, #tpu.memory_space<vmem>> -> memref<128x128xf32, #tpu.memory_space<vmem>>
    %dma_wait3A_144 = arith.constant 0 : i32
    %dma_wait3A_145 = tpu.memref_slice %arg4[%add3A_64, %dma_wait3A_144] : memref<16384x128xf32, #tpu.memory_space<hbm>> -> memref<128x128xf32, #tpu.memory_space<hbm>>
    %dma_wait3A_146 = arith.constant 0 : i32
    %dma_wait3A_147 = tpu.memref_slice %arg4[%add3A_64, %dma_wait3A_146] : memref<16384x128xf32, #tpu.memory_space<hbm>> -> memref<128x128xf32, #tpu.memory_space<hbm>>
    %dma_wait3A_148 = arith.constant 0 : i32
    %dma_wait3A_149 = arith.constant 0 : i32
    %dma_wait3A_150 = tpu.memref_slice %arg6[%dma_wait3A_148, %dma_wait3A_149] : memref<512x128xf32, #tpu.memory_space<vmem>> -> memref<128x128xf32, #tpu.memory_space<vmem>>
    tpu.wait_dma2 semaphore(%arg9 : memref<!tpu.dma_semaphore, #tpu.memory_space<semaphore_mem>>) src(%dma_wait3A_150 : memref<128x128xf32, #tpu.memory_space<vmem>>) dst(%dma_wait3A_147 : memref<128x128xf32, #tpu.memory_space<hbm>>)
    %dma_wait3A_151 = arith.constant 128 : i32
    %dma_wait3A_152 = arith.constant 0 : i32
    %dma_wait3A_153 = tpu.memref_slice %arg6[%dma_wait3A_151, %dma_wait3A_152] : memref<512x128xf32, #tpu.memory_space<vmem>> -> memref<128x128xf32, #tpu.memory_space<vmem>>
    %dma_wait3A_154 = arith.constant 0 : i32
    %dma_wait3A_155 = tpu.memref_slice %arg4[%add3A_86, %dma_wait3A_154] : memref<16384x128xf32, #tpu.memory_space<hbm>> -> memref<128x128xf32, #tpu.memory_space<hbm>>
    %dma_wait3A_156 = arith.constant 0 : i32
    %dma_wait3A_157 = tpu.memref_slice %arg4[%add3A_86, %dma_wait3A_156] : memref<16384x128xf32, #tpu.memory_space<hbm>> -> memref<128x128xf32, #tpu.memory_space<hbm>>
    %dma_wait3A_158 = arith.constant 128 : i32
    %dma_wait3A_159 = arith.constant 0 : i32
    %dma_wait3A_160 = tpu.memref_slice %arg6[%dma_wait3A_158, %dma_wait3A_159] : memref<512x128xf32, #tpu.memory_space<vmem>> -> memref<128x128xf32, #tpu.memory_space<vmem>>
    tpu.wait_dma2 semaphore(%arg9 : memref<!tpu.dma_semaphore, #tpu.memory_space<semaphore_mem>>) src(%dma_wait3A_160 : memref<128x128xf32, #tpu.memory_space<vmem>>) dst(%dma_wait3A_157 : memref<128x128xf32, #tpu.memory_space<hbm>>)
    %dma_wait3A_161 = arith.constant 256 : i32
    %dma_wait3A_162 = arith.constant 0 : i32
    %dma_wait3A_163 = tpu.memref_slice %arg6[%dma_wait3A_161, %dma_wait3A_162] : memref<512x128xf32, #tpu.memory_space<vmem>> -> memref<128x128xf32, #tpu.memory_space<vmem>>
    %dma_wait3A_164 = arith.constant 0 : i32
    %dma_wait3A_165 = tpu.memref_slice %arg4[%add3A_108, %dma_wait3A_164] : memref<16384x128xf32, #tpu.memory_space<hbm>> -> memref<128x128xf32, #tpu.memory_space<hbm>>
    %dma_wait3A_166 = arith.constant 0 : i32
    %dma_wait3A_167 = tpu.memref_slice %arg4[%add3A_108, %dma_wait3A_166] : memref<16384x128xf32, #tpu.memory_space<hbm>> -> memref<128x128xf32, #tpu.memory_space<hbm>>
    %dma_wait3A_168 = arith.constant 256 : i32
    %dma_wait3A_169 = arith.constant 0 : i32
    %dma_wait3A_170 = tpu.memref_slice %arg6[%dma_wait3A_168, %dma_wait3A_169] : memref<512x128xf32, #tpu.memory_space<vmem>> -> memref<128x128xf32, #tpu.memory_space<vmem>>
    tpu.wait_dma2 semaphore(%arg9 : memref<!tpu.dma_semaphore, #tpu.memory_space<semaphore_mem>>) src(%dma_wait3A_170 : memref<128x128xf32, #tpu.memory_space<vmem>>) dst(%dma_wait3A_167 : memref<128x128xf32, #tpu.memory_space<hbm>>)
    %dma_wait3A_171 = arith.constant 384 : i32
    %dma_wait3A_172 = arith.constant 0 : i32
    %dma_wait3A_173 = tpu.memref_slice %arg6[%dma_wait3A_171, %dma_wait3A_172] : memref<512x128xf32, #tpu.memory_space<vmem>> -> memref<128x128xf32, #tpu.memory_space<vmem>>
    %dma_wait3A_174 = arith.constant 0 : i32
    %dma_wait3A_175 = tpu.memref_slice %arg4[%add3A_130, %dma_wait3A_174] : memref<16384x128xf32, #tpu.memory_space<hbm>> -> memref<128x128xf32, #tpu.memory_space<hbm>>
    %dma_wait3A_176 = arith.constant 0 : i32
    %dma_wait3A_177 = tpu.memref_slice %arg4[%add3A_130, %dma_wait3A_176] : memref<16384x128xf32, #tpu.memory_space<hbm>> -> memref<128x128xf32, #tpu.memory_space<hbm>>
    %dma_wait3A_178 = arith.constant 384 : i32
    %dma_wait3A_179 = arith.constant 0 : i32
    %dma_wait3A_180 = tpu.memref_slice %arg6[%dma_wait3A_178, %dma_wait3A_179] : memref<512x128xf32, #tpu.memory_space<vmem>> -> memref<128x128xf32, #tpu.memory_space<vmem>>
    tpu.wait_dma2 semaphore(%arg9 : memref<!tpu.dma_semaphore, #tpu.memory_space<semaphore_mem>>) src(%dma_wait3A_180 : memref<128x128xf32, #tpu.memory_space<vmem>>) dst(%dma_wait3A_177 : memref<128x128xf32, #tpu.memory_space<hbm>>)
    return
  }
}

module attributes {stable_mosaic.version = 14 : i64} {
  func.func @_assign_body(%arg0: i32, %arg1: memref<4096x128xf32, #tpu.memory_space<vmem>>, %arg2: memref<1024x128xf32, #tpu.memory_space<vmem>>, %arg3: memref<1x4096xf32, #tpu.memory_space<vmem>>, %arg4: memref<1024x1xf32, #tpu.memory_space<vmem>>, %arg5: memref<1x1x4096xi32, #tpu.memory_space<vmem>>) attributes {dimension_semantics = [#tpu.dimension_semantics<arbitrary>], iteration_bounds = array<i64: 4>, scalar_prefetch = 0 : i64, scratch_operands = 0 : i64, tpu.core_type = #tpu.core_type<tc>, window_params = [{transform_indices = @transform_0, window_bounds = array<i64: 4096, 128>}, {pipeline_mode = #tpu.pipeline_mode<synchronous>, transform_indices = @transform_1, window_bounds = array<i64: 1024, 128>}, {transform_indices = @transform_2, window_bounds = array<i64: 1, 4096>}, {pipeline_mode = #tpu.pipeline_mode<synchronous>, transform_indices = @transform_3, window_bounds = array<i64: 1024, 1>}, {transform_indices = @transform_4, window_bounds = array<i64: 1, 1, 4096>}]} {
    %get3A = arith.constant 0 : index
    %get3A_0 = arith.constant 0 : index
    %get3A_1 = vector.load %arg2[%get3A, %get3A_0] : memref<1024x128xf32, #tpu.memory_space<vmem>>, vector<1024x128xf32>
    %get3A_2 = arith.constant 0 : index
    %get3A_3 = arith.constant 0 : index
    %get3A_4 = vector.load %arg1[%get3A_2, %get3A_3] : memref<4096x128xf32, #tpu.memory_space<vmem>>, vector<4096x128xf32>
    %mul3A = arith.constant 2.000000e+00 : f32
    %mul3A_5 = vector.broadcast %mul3A : f32 to vector<1024x128xf32>
    %mul3A_6 = arith.mulf %get3A_1, %mul3A_5 : vector<1024x128xf32>
    %get3A_7 = arith.constant 0 : index
    %get3A_8 = arith.constant 0 : index
    %get3A_9 = vector.load %arg3[%get3A_7, %get3A_8] : memref<1x4096xf32, #tpu.memory_space<vmem>>, vector<1x4096xf32>
    %get3A_10 = arith.constant 0 : index
    %get3A_11 = arith.constant 0 : index
    %get3A_12 = vector.load %arg4[%get3A_10, %get3A_11] : memref<1024x1xf32, #tpu.memory_space<vmem>>, vector<1024x1xf32>
    %slice3A = vector.extract_strided_slice %mul3A_6 {offsets = [0, 0], sizes = [128, 128], strides = [1, 1]} : vector<1024x128xf32> to vector<128x128xf32>
    %dot_general3A = arith.constant dense<0.000000e+00> : vector<128x4096xf32>
    %dot_general3A_13 = tpu.matmul %slice3A, %get3A_4, %dot_general3A {dimension_numbers = #tpu.dot_dimension_numbers<[1], [1], [0], [0], [0, 0, 1, 0], [], []>, transpose_lhs_hint = false} : vector<128x128xf32>, vector<4096x128xf32>, vector<128x4096xf32> -> vector<128x4096xf32>
    %sub3A = vector.broadcast %get3A_9 : vector<1x4096xf32> to vector<128x4096xf32>
    %sub3A_14 = arith.subf %dot_general3A_13, %sub3A : vector<128x4096xf32>
    %slice3A_15 = vector.extract_strided_slice %get3A_12 {offsets = [0, 0], sizes = [128, 1], strides = [1, 1]} : vector<1024x1xf32> to vector<128x1xf32>
    %sub3A_16 = vector.broadcast %slice3A_15 : vector<128x1xf32> to vector<128x4096xf32>
    %sub3A_17 = arith.subf %sub3A_14, %sub3A_16 : vector<128x4096xf32>
    %slice3A_18 = vector.extract_strided_slice %sub3A_17 {offsets = [0, 0], sizes = [8, 4096], strides = [1, 1]} : vector<128x4096xf32> to vector<8x4096xf32>
    %broadcast_in_dim3A = arith.constant 0 : i32
    %broadcast_in_dim3A_19 = vector.broadcast %broadcast_in_dim3A : i32 to vector<8x4096xi32>
    %slice3A_20 = vector.extract_strided_slice %sub3A_17 {offsets = [8, 0], sizes = [8, 4096], strides = [1, 1]} : vector<128x4096xf32> to vector<8x4096xf32>
    %gt3A = arith.cmpf ogt, %slice3A_20, %slice3A_18 : vector<8x4096xf32>
    %max3A = arith.maximumf %slice3A_20, %slice3A_18 : vector<8x4096xf32>
    %jit3A = arith.constant 1 : i32
    %broadcast_in_dim3A_21 = vector.broadcast %jit3A : i32 to vector<8x4096xi32>
    %select_n3A = arith.select %gt3A, %broadcast_in_dim3A_21, %broadcast_in_dim3A_19 : vector<8x4096xi1>, vector<8x4096xi32>
    %slice3A_22 = vector.extract_strided_slice %sub3A_17 {offsets = [16, 0], sizes = [8, 4096], strides = [1, 1]} : vector<128x4096xf32> to vector<8x4096xf32>
    %gt3A_23 = arith.cmpf ogt, %slice3A_22, %max3A : vector<8x4096xf32>
    %max3A_24 = arith.maximumf %slice3A_22, %max3A : vector<8x4096xf32>
    %jit3A_25 = arith.constant 2 : i32
    %broadcast_in_dim3A_26 = vector.broadcast %jit3A_25 : i32 to vector<8x4096xi32>
    %select_n3A_27 = arith.select %gt3A_23, %broadcast_in_dim3A_26, %select_n3A : vector<8x4096xi1>, vector<8x4096xi32>
    %slice3A_28 = vector.extract_strided_slice %sub3A_17 {offsets = [24, 0], sizes = [8, 4096], strides = [1, 1]} : vector<128x4096xf32> to vector<8x4096xf32>
    %gt3A_29 = arith.cmpf ogt, %slice3A_28, %max3A_24 : vector<8x4096xf32>
    %max3A_30 = arith.maximumf %slice3A_28, %max3A_24 : vector<8x4096xf32>
    %jit3A_31 = arith.constant 3 : i32
    %broadcast_in_dim3A_32 = vector.broadcast %jit3A_31 : i32 to vector<8x4096xi32>
    %select_n3A_33 = arith.select %gt3A_29, %broadcast_in_dim3A_32, %select_n3A_27 : vector<8x4096xi1>, vector<8x4096xi32>
    %slice3A_34 = vector.extract_strided_slice %sub3A_17 {offsets = [32, 0], sizes = [8, 4096], strides = [1, 1]} : vector<128x4096xf32> to vector<8x4096xf32>
    %gt3A_35 = arith.cmpf ogt, %slice3A_34, %max3A_30 : vector<8x4096xf32>
    %max3A_36 = arith.maximumf %slice3A_34, %max3A_30 : vector<8x4096xf32>
    %jit3A_37 = arith.constant 4 : i32
    %broadcast_in_dim3A_38 = vector.broadcast %jit3A_37 : i32 to vector<8x4096xi32>
    %select_n3A_39 = arith.select %gt3A_35, %broadcast_in_dim3A_38, %select_n3A_33 : vector<8x4096xi1>, vector<8x4096xi32>
    %slice3A_40 = vector.extract_strided_slice %sub3A_17 {offsets = [40, 0], sizes = [8, 4096], strides = [1, 1]} : vector<128x4096xf32> to vector<8x4096xf32>
    %gt3A_41 = arith.cmpf ogt, %slice3A_40, %max3A_36 : vector<8x4096xf32>
    %max3A_42 = arith.maximumf %slice3A_40, %max3A_36 : vector<8x4096xf32>
    %jit3A_43 = arith.constant 5 : i32
    %broadcast_in_dim3A_44 = vector.broadcast %jit3A_43 : i32 to vector<8x4096xi32>
    %select_n3A_45 = arith.select %gt3A_41, %broadcast_in_dim3A_44, %select_n3A_39 : vector<8x4096xi1>, vector<8x4096xi32>
    %slice3A_46 = vector.extract_strided_slice %sub3A_17 {offsets = [48, 0], sizes = [8, 4096], strides = [1, 1]} : vector<128x4096xf32> to vector<8x4096xf32>
    %gt3A_47 = arith.cmpf ogt, %slice3A_46, %max3A_42 : vector<8x4096xf32>
    %max3A_48 = arith.maximumf %slice3A_46, %max3A_42 : vector<8x4096xf32>
    %jit3A_49 = arith.constant 6 : i32
    %broadcast_in_dim3A_50 = vector.broadcast %jit3A_49 : i32 to vector<8x4096xi32>
    %select_n3A_51 = arith.select %gt3A_47, %broadcast_in_dim3A_50, %select_n3A_45 : vector<8x4096xi1>, vector<8x4096xi32>
    %slice3A_52 = vector.extract_strided_slice %sub3A_17 {offsets = [56, 0], sizes = [8, 4096], strides = [1, 1]} : vector<128x4096xf32> to vector<8x4096xf32>
    %gt3A_53 = arith.cmpf ogt, %slice3A_52, %max3A_48 : vector<8x4096xf32>
    %max3A_54 = arith.maximumf %slice3A_52, %max3A_48 : vector<8x4096xf32>
    %jit3A_55 = arith.constant 7 : i32
    %broadcast_in_dim3A_56 = vector.broadcast %jit3A_55 : i32 to vector<8x4096xi32>
    %select_n3A_57 = arith.select %gt3A_53, %broadcast_in_dim3A_56, %select_n3A_51 : vector<8x4096xi1>, vector<8x4096xi32>
    %slice3A_58 = vector.extract_strided_slice %sub3A_17 {offsets = [64, 0], sizes = [8, 4096], strides = [1, 1]} : vector<128x4096xf32> to vector<8x4096xf32>
    %gt3A_59 = arith.cmpf ogt, %slice3A_58, %max3A_54 : vector<8x4096xf32>
    %max3A_60 = arith.maximumf %slice3A_58, %max3A_54 : vector<8x4096xf32>
    %jit3A_61 = arith.constant 8 : i32
    %broadcast_in_dim3A_62 = vector.broadcast %jit3A_61 : i32 to vector<8x4096xi32>
    %select_n3A_63 = arith.select %gt3A_59, %broadcast_in_dim3A_62, %select_n3A_57 : vector<8x4096xi1>, vector<8x4096xi32>
    %slice3A_64 = vector.extract_strided_slice %sub3A_17 {offsets = [72, 0], sizes = [8, 4096], strides = [1, 1]} : vector<128x4096xf32> to vector<8x4096xf32>
    %gt3A_65 = arith.cmpf ogt, %slice3A_64, %max3A_60 : vector<8x4096xf32>
    %max3A_66 = arith.maximumf %slice3A_64, %max3A_60 : vector<8x4096xf32>
    %jit3A_67 = arith.constant 9 : i32
    %broadcast_in_dim3A_68 = vector.broadcast %jit3A_67 : i32 to vector<8x4096xi32>
    %select_n3A_69 = arith.select %gt3A_65, %broadcast_in_dim3A_68, %select_n3A_63 : vector<8x4096xi1>, vector<8x4096xi32>
    %slice3A_70 = vector.extract_strided_slice %sub3A_17 {offsets = [80, 0], sizes = [8, 4096], strides = [1, 1]} : vector<128x4096xf32> to vector<8x4096xf32>
    %gt3A_71 = arith.cmpf ogt, %slice3A_70, %max3A_66 : vector<8x4096xf32>
    %max3A_72 = arith.maximumf %slice3A_70, %max3A_66 : vector<8x4096xf32>
    %jit3A_73 = arith.constant 10 : i32
    %broadcast_in_dim3A_74 = vector.broadcast %jit3A_73 : i32 to vector<8x4096xi32>
    %select_n3A_75 = arith.select %gt3A_71, %broadcast_in_dim3A_74, %select_n3A_69 : vector<8x4096xi1>, vector<8x4096xi32>
    %slice3A_76 = vector.extract_strided_slice %sub3A_17 {offsets = [88, 0], sizes = [8, 4096], strides = [1, 1]} : vector<128x4096xf32> to vector<8x4096xf32>
    %gt3A_77 = arith.cmpf ogt, %slice3A_76, %max3A_72 : vector<8x4096xf32>
    %max3A_78 = arith.maximumf %slice3A_76, %max3A_72 : vector<8x4096xf32>
    %jit3A_79 = arith.constant 11 : i32
    %broadcast_in_dim3A_80 = vector.broadcast %jit3A_79 : i32 to vector<8x4096xi32>
    %select_n3A_81 = arith.select %gt3A_77, %broadcast_in_dim3A_80, %select_n3A_75 : vector<8x4096xi1>, vector<8x4096xi32>
    %slice3A_82 = vector.extract_strided_slice %sub3A_17 {offsets = [96, 0], sizes = [8, 4096], strides = [1, 1]} : vector<128x4096xf32> to vector<8x4096xf32>
    %gt3A_83 = arith.cmpf ogt, %slice3A_82, %max3A_78 : vector<8x4096xf32>
    %max3A_84 = arith.maximumf %slice3A_82, %max3A_78 : vector<8x4096xf32>
    %jit3A_85 = arith.constant 12 : i32
    %broadcast_in_dim3A_86 = vector.broadcast %jit3A_85 : i32 to vector<8x4096xi32>
    %select_n3A_87 = arith.select %gt3A_83, %broadcast_in_dim3A_86, %select_n3A_81 : vector<8x4096xi1>, vector<8x4096xi32>
    %slice3A_88 = vector.extract_strided_slice %sub3A_17 {offsets = [104, 0], sizes = [8, 4096], strides = [1, 1]} : vector<128x4096xf32> to vector<8x4096xf32>
    %gt3A_89 = arith.cmpf ogt, %slice3A_88, %max3A_84 : vector<8x4096xf32>
    %max3A_90 = arith.maximumf %slice3A_88, %max3A_84 : vector<8x4096xf32>
    %jit3A_91 = arith.constant 13 : i32
    %broadcast_in_dim3A_92 = vector.broadcast %jit3A_91 : i32 to vector<8x4096xi32>
    %select_n3A_93 = arith.select %gt3A_89, %broadcast_in_dim3A_92, %select_n3A_87 : vector<8x4096xi1>, vector<8x4096xi32>
    %slice3A_94 = vector.extract_strided_slice %sub3A_17 {offsets = [112, 0], sizes = [8, 4096], strides = [1, 1]} : vector<128x4096xf32> to vector<8x4096xf32>
    %gt3A_95 = arith.cmpf ogt, %slice3A_94, %max3A_90 : vector<8x4096xf32>
    %max3A_96 = arith.maximumf %slice3A_94, %max3A_90 : vector<8x4096xf32>
    %jit3A_97 = arith.constant 14 : i32
    %broadcast_in_dim3A_98 = vector.broadcast %jit3A_97 : i32 to vector<8x4096xi32>
    %select_n3A_99 = arith.select %gt3A_95, %broadcast_in_dim3A_98, %select_n3A_93 : vector<8x4096xi1>, vector<8x4096xi32>
    %slice3A_100 = vector.extract_strided_slice %sub3A_17 {offsets = [120, 0], sizes = [8, 4096], strides = [1, 1]} : vector<128x4096xf32> to vector<8x4096xf32>
    %gt3A_101 = arith.cmpf ogt, %slice3A_100, %max3A_96 : vector<8x4096xf32>
    %max3A_102 = arith.maximumf %slice3A_100, %max3A_96 : vector<8x4096xf32>
    %jit3A_103 = arith.constant 15 : i32
    %broadcast_in_dim3A_104 = vector.broadcast %jit3A_103 : i32 to vector<8x4096xi32>
    %select_n3A_105 = arith.select %gt3A_101, %broadcast_in_dim3A_104, %select_n3A_99 : vector<8x4096xi1>, vector<8x4096xi32>
    %slice3A_106 = vector.extract_strided_slice %mul3A_6 {offsets = [128, 0], sizes = [128, 128], strides = [1, 1]} : vector<1024x128xf32> to vector<128x128xf32>
    %dot_general3A_107 = arith.constant dense<0.000000e+00> : vector<128x4096xf32>
    %dot_general3A_108 = tpu.matmul %slice3A_106, %get3A_4, %dot_general3A_107 {dimension_numbers = #tpu.dot_dimension_numbers<[1], [1], [0], [0], [0, 0, 1, 0], [], []>, transpose_lhs_hint = false} : vector<128x128xf32>, vector<4096x128xf32>, vector<128x4096xf32> -> vector<128x4096xf32>
    %sub3A_109 = vector.broadcast %get3A_9 : vector<1x4096xf32> to vector<128x4096xf32>
    %sub3A_110 = arith.subf %dot_general3A_108, %sub3A_109 : vector<128x4096xf32>
    %slice3A_111 = vector.extract_strided_slice %get3A_12 {offsets = [128, 0], sizes = [128, 1], strides = [1, 1]} : vector<1024x1xf32> to vector<128x1xf32>
    %sub3A_112 = vector.broadcast %slice3A_111 : vector<128x1xf32> to vector<128x4096xf32>
    %sub3A_113 = arith.subf %sub3A_110, %sub3A_112 : vector<128x4096xf32>
    %slice3A_114 = vector.extract_strided_slice %sub3A_113 {offsets = [0, 0], sizes = [8, 4096], strides = [1, 1]} : vector<128x4096xf32> to vector<8x4096xf32>
    %gt3A_115 = arith.cmpf ogt, %slice3A_114, %max3A_102 : vector<8x4096xf32>
    %max3A_116 = arith.maximumf %slice3A_114, %max3A_102 : vector<8x4096xf32>
    %jit3A_117 = arith.constant 16 : i32
    %broadcast_in_dim3A_118 = vector.broadcast %jit3A_117 : i32 to vector<8x4096xi32>
    %select_n3A_119 = arith.select %gt3A_115, %broadcast_in_dim3A_118, %select_n3A_105 : vector<8x4096xi1>, vector<8x4096xi32>
    %slice3A_120 = vector.extract_strided_slice %sub3A_113 {offsets = [8, 0], sizes = [8, 4096], strides = [1, 1]} : vector<128x4096xf32> to vector<8x4096xf32>
    %gt3A_121 = arith.cmpf ogt, %slice3A_120, %max3A_116 : vector<8x4096xf32>
    %max3A_122 = arith.maximumf %slice3A_120, %max3A_116 : vector<8x4096xf32>
    %jit3A_123 = arith.constant 17 : i32
    %broadcast_in_dim3A_124 = vector.broadcast %jit3A_123 : i32 to vector<8x4096xi32>
    %select_n3A_125 = arith.select %gt3A_121, %broadcast_in_dim3A_124, %select_n3A_119 : vector<8x4096xi1>, vector<8x4096xi32>
    %slice3A_126 = vector.extract_strided_slice %sub3A_113 {offsets = [16, 0], sizes = [8, 4096], strides = [1, 1]} : vector<128x4096xf32> to vector<8x4096xf32>
    %gt3A_127 = arith.cmpf ogt, %slice3A_126, %max3A_122 : vector<8x4096xf32>
    %max3A_128 = arith.maximumf %slice3A_126, %max3A_122 : vector<8x4096xf32>
    %jit3A_129 = arith.constant 18 : i32
    %broadcast_in_dim3A_130 = vector.broadcast %jit3A_129 : i32 to vector<8x4096xi32>
    %select_n3A_131 = arith.select %gt3A_127, %broadcast_in_dim3A_130, %select_n3A_125 : vector<8x4096xi1>, vector<8x4096xi32>
    %slice3A_132 = vector.extract_strided_slice %sub3A_113 {offsets = [24, 0], sizes = [8, 4096], strides = [1, 1]} : vector<128x4096xf32> to vector<8x4096xf32>
    %gt3A_133 = arith.cmpf ogt, %slice3A_132, %max3A_128 : vector<8x4096xf32>
    %max3A_134 = arith.maximumf %slice3A_132, %max3A_128 : vector<8x4096xf32>
    %jit3A_135 = arith.constant 19 : i32
    %broadcast_in_dim3A_136 = vector.broadcast %jit3A_135 : i32 to vector<8x4096xi32>
    %select_n3A_137 = arith.select %gt3A_133, %broadcast_in_dim3A_136, %select_n3A_131 : vector<8x4096xi1>, vector<8x4096xi32>
    %slice3A_138 = vector.extract_strided_slice %sub3A_113 {offsets = [32, 0], sizes = [8, 4096], strides = [1, 1]} : vector<128x4096xf32> to vector<8x4096xf32>
    %gt3A_139 = arith.cmpf ogt, %slice3A_138, %max3A_134 : vector<8x4096xf32>
    %max3A_140 = arith.maximumf %slice3A_138, %max3A_134 : vector<8x4096xf32>
    %jit3A_141 = arith.constant 20 : i32
    %broadcast_in_dim3A_142 = vector.broadcast %jit3A_141 : i32 to vector<8x4096xi32>
    %select_n3A_143 = arith.select %gt3A_139, %broadcast_in_dim3A_142, %select_n3A_137 : vector<8x4096xi1>, vector<8x4096xi32>
    %slice3A_144 = vector.extract_strided_slice %sub3A_113 {offsets = [40, 0], sizes = [8, 4096], strides = [1, 1]} : vector<128x4096xf32> to vector<8x4096xf32>
    %gt3A_145 = arith.cmpf ogt, %slice3A_144, %max3A_140 : vector<8x4096xf32>
    %max3A_146 = arith.maximumf %slice3A_144, %max3A_140 : vector<8x4096xf32>
    %jit3A_147 = arith.constant 21 : i32
    %broadcast_in_dim3A_148 = vector.broadcast %jit3A_147 : i32 to vector<8x4096xi32>
    %select_n3A_149 = arith.select %gt3A_145, %broadcast_in_dim3A_148, %select_n3A_143 : vector<8x4096xi1>, vector<8x4096xi32>
    %slice3A_150 = vector.extract_strided_slice %sub3A_113 {offsets = [48, 0], sizes = [8, 4096], strides = [1, 1]} : vector<128x4096xf32> to vector<8x4096xf32>
    %gt3A_151 = arith.cmpf ogt, %slice3A_150, %max3A_146 : vector<8x4096xf32>
    %max3A_152 = arith.maximumf %slice3A_150, %max3A_146 : vector<8x4096xf32>
    %jit3A_153 = arith.constant 22 : i32
    %broadcast_in_dim3A_154 = vector.broadcast %jit3A_153 : i32 to vector<8x4096xi32>
    %select_n3A_155 = arith.select %gt3A_151, %broadcast_in_dim3A_154, %select_n3A_149 : vector<8x4096xi1>, vector<8x4096xi32>
    %slice3A_156 = vector.extract_strided_slice %sub3A_113 {offsets = [56, 0], sizes = [8, 4096], strides = [1, 1]} : vector<128x4096xf32> to vector<8x4096xf32>
    %gt3A_157 = arith.cmpf ogt, %slice3A_156, %max3A_152 : vector<8x4096xf32>
    %max3A_158 = arith.maximumf %slice3A_156, %max3A_152 : vector<8x4096xf32>
    %jit3A_159 = arith.constant 23 : i32
    %broadcast_in_dim3A_160 = vector.broadcast %jit3A_159 : i32 to vector<8x4096xi32>
    %select_n3A_161 = arith.select %gt3A_157, %broadcast_in_dim3A_160, %select_n3A_155 : vector<8x4096xi1>, vector<8x4096xi32>
    %slice3A_162 = vector.extract_strided_slice %sub3A_113 {offsets = [64, 0], sizes = [8, 4096], strides = [1, 1]} : vector<128x4096xf32> to vector<8x4096xf32>
    %gt3A_163 = arith.cmpf ogt, %slice3A_162, %max3A_158 : vector<8x4096xf32>
    %max3A_164 = arith.maximumf %slice3A_162, %max3A_158 : vector<8x4096xf32>
    %jit3A_165 = arith.constant 24 : i32
    %broadcast_in_dim3A_166 = vector.broadcast %jit3A_165 : i32 to vector<8x4096xi32>
    %select_n3A_167 = arith.select %gt3A_163, %broadcast_in_dim3A_166, %select_n3A_161 : vector<8x4096xi1>, vector<8x4096xi32>
    %slice3A_168 = vector.extract_strided_slice %sub3A_113 {offsets = [72, 0], sizes = [8, 4096], strides = [1, 1]} : vector<128x4096xf32> to vector<8x4096xf32>
    %gt3A_169 = arith.cmpf ogt, %slice3A_168, %max3A_164 : vector<8x4096xf32>
    %max3A_170 = arith.maximumf %slice3A_168, %max3A_164 : vector<8x4096xf32>
    %jit3A_171 = arith.constant 25 : i32
    %broadcast_in_dim3A_172 = vector.broadcast %jit3A_171 : i32 to vector<8x4096xi32>
    %select_n3A_173 = arith.select %gt3A_169, %broadcast_in_dim3A_172, %select_n3A_167 : vector<8x4096xi1>, vector<8x4096xi32>
    %slice3A_174 = vector.extract_strided_slice %sub3A_113 {offsets = [80, 0], sizes = [8, 4096], strides = [1, 1]} : vector<128x4096xf32> to vector<8x4096xf32>
    %gt3A_175 = arith.cmpf ogt, %slice3A_174, %max3A_170 : vector<8x4096xf32>
    %max3A_176 = arith.maximumf %slice3A_174, %max3A_170 : vector<8x4096xf32>
    %jit3A_177 = arith.constant 26 : i32
    %broadcast_in_dim3A_178 = vector.broadcast %jit3A_177 : i32 to vector<8x4096xi32>
    %select_n3A_179 = arith.select %gt3A_175, %broadcast_in_dim3A_178, %select_n3A_173 : vector<8x4096xi1>, vector<8x4096xi32>
    %slice3A_180 = vector.extract_strided_slice %sub3A_113 {offsets = [88, 0], sizes = [8, 4096], strides = [1, 1]} : vector<128x4096xf32> to vector<8x4096xf32>
    %gt3A_181 = arith.cmpf ogt, %slice3A_180, %max3A_176 : vector<8x4096xf32>
    %max3A_182 = arith.maximumf %slice3A_180, %max3A_176 : vector<8x4096xf32>
    %jit3A_183 = arith.constant 27 : i32
    %broadcast_in_dim3A_184 = vector.broadcast %jit3A_183 : i32 to vector<8x4096xi32>
    %select_n3A_185 = arith.select %gt3A_181, %broadcast_in_dim3A_184, %select_n3A_179 : vector<8x4096xi1>, vector<8x4096xi32>
    %slice3A_186 = vector.extract_strided_slice %sub3A_113 {offsets = [96, 0], sizes = [8, 4096], strides = [1, 1]} : vector<128x4096xf32> to vector<8x4096xf32>
    %gt3A_187 = arith.cmpf ogt, %slice3A_186, %max3A_182 : vector<8x4096xf32>
    %max3A_188 = arith.maximumf %slice3A_186, %max3A_182 : vector<8x4096xf32>
    %jit3A_189 = arith.constant 28 : i32
    %broadcast_in_dim3A_190 = vector.broadcast %jit3A_189 : i32 to vector<8x4096xi32>
    %select_n3A_191 = arith.select %gt3A_187, %broadcast_in_dim3A_190, %select_n3A_185 : vector<8x4096xi1>, vector<8x4096xi32>
    %slice3A_192 = vector.extract_strided_slice %sub3A_113 {offsets = [104, 0], sizes = [8, 4096], strides = [1, 1]} : vector<128x4096xf32> to vector<8x4096xf32>
    %gt3A_193 = arith.cmpf ogt, %slice3A_192, %max3A_188 : vector<8x4096xf32>
    %max3A_194 = arith.maximumf %slice3A_192, %max3A_188 : vector<8x4096xf32>
    %jit3A_195 = arith.constant 29 : i32
    %broadcast_in_dim3A_196 = vector.broadcast %jit3A_195 : i32 to vector<8x4096xi32>
    %select_n3A_197 = arith.select %gt3A_193, %broadcast_in_dim3A_196, %select_n3A_191 : vector<8x4096xi1>, vector<8x4096xi32>
    %slice3A_198 = vector.extract_strided_slice %sub3A_113 {offsets = [112, 0], sizes = [8, 4096], strides = [1, 1]} : vector<128x4096xf32> to vector<8x4096xf32>
    %gt3A_199 = arith.cmpf ogt, %slice3A_198, %max3A_194 : vector<8x4096xf32>
    %max3A_200 = arith.maximumf %slice3A_198, %max3A_194 : vector<8x4096xf32>
    %jit3A_201 = arith.constant 30 : i32
    %broadcast_in_dim3A_202 = vector.broadcast %jit3A_201 : i32 to vector<8x4096xi32>
    %select_n3A_203 = arith.select %gt3A_199, %broadcast_in_dim3A_202, %select_n3A_197 : vector<8x4096xi1>, vector<8x4096xi32>
    %slice3A_204 = vector.extract_strided_slice %sub3A_113 {offsets = [120, 0], sizes = [8, 4096], strides = [1, 1]} : vector<128x4096xf32> to vector<8x4096xf32>
    %gt3A_205 = arith.cmpf ogt, %slice3A_204, %max3A_200 : vector<8x4096xf32>
    %max3A_206 = arith.maximumf %slice3A_204, %max3A_200 : vector<8x4096xf32>
    %jit3A_207 = arith.constant 31 : i32
    %broadcast_in_dim3A_208 = vector.broadcast %jit3A_207 : i32 to vector<8x4096xi32>
    %select_n3A_209 = arith.select %gt3A_205, %broadcast_in_dim3A_208, %select_n3A_203 : vector<8x4096xi1>, vector<8x4096xi32>
    %slice3A_210 = vector.extract_strided_slice %mul3A_6 {offsets = [256, 0], sizes = [128, 128], strides = [1, 1]} : vector<1024x128xf32> to vector<128x128xf32>
    %dot_general3A_211 = arith.constant dense<0.000000e+00> : vector<128x4096xf32>
    %dot_general3A_212 = tpu.matmul %slice3A_210, %get3A_4, %dot_general3A_211 {dimension_numbers = #tpu.dot_dimension_numbers<[1], [1], [0], [0], [0, 0, 1, 0], [], []>, transpose_lhs_hint = false} : vector<128x128xf32>, vector<4096x128xf32>, vector<128x4096xf32> -> vector<128x4096xf32>
    %sub3A_213 = vector.broadcast %get3A_9 : vector<1x4096xf32> to vector<128x4096xf32>
    %sub3A_214 = arith.subf %dot_general3A_212, %sub3A_213 : vector<128x4096xf32>
    %slice3A_215 = vector.extract_strided_slice %get3A_12 {offsets = [256, 0], sizes = [128, 1], strides = [1, 1]} : vector<1024x1xf32> to vector<128x1xf32>
    %sub3A_216 = vector.broadcast %slice3A_215 : vector<128x1xf32> to vector<128x4096xf32>
    %sub3A_217 = arith.subf %sub3A_214, %sub3A_216 : vector<128x4096xf32>
    %slice3A_218 = vector.extract_strided_slice %sub3A_217 {offsets = [0, 0], sizes = [8, 4096], strides = [1, 1]} : vector<128x4096xf32> to vector<8x4096xf32>
    %gt3A_219 = arith.cmpf ogt, %slice3A_218, %max3A_206 : vector<8x4096xf32>
    %max3A_220 = arith.maximumf %slice3A_218, %max3A_206 : vector<8x4096xf32>
    %jit3A_221 = arith.constant 32 : i32
    %broadcast_in_dim3A_222 = vector.broadcast %jit3A_221 : i32 to vector<8x4096xi32>
    %select_n3A_223 = arith.select %gt3A_219, %broadcast_in_dim3A_222, %select_n3A_209 : vector<8x4096xi1>, vector<8x4096xi32>
    %slice3A_224 = vector.extract_strided_slice %sub3A_217 {offsets = [8, 0], sizes = [8, 4096], strides = [1, 1]} : vector<128x4096xf32> to vector<8x4096xf32>
    %gt3A_225 = arith.cmpf ogt, %slice3A_224, %max3A_220 : vector<8x4096xf32>
    %max3A_226 = arith.maximumf %slice3A_224, %max3A_220 : vector<8x4096xf32>
    %jit3A_227 = arith.constant 33 : i32
    %broadcast_in_dim3A_228 = vector.broadcast %jit3A_227 : i32 to vector<8x4096xi32>
    %select_n3A_229 = arith.select %gt3A_225, %broadcast_in_dim3A_228, %select_n3A_223 : vector<8x4096xi1>, vector<8x4096xi32>
    %slice3A_230 = vector.extract_strided_slice %sub3A_217 {offsets = [16, 0], sizes = [8, 4096], strides = [1, 1]} : vector<128x4096xf32> to vector<8x4096xf32>
    %gt3A_231 = arith.cmpf ogt, %slice3A_230, %max3A_226 : vector<8x4096xf32>
    %max3A_232 = arith.maximumf %slice3A_230, %max3A_226 : vector<8x4096xf32>
    %jit3A_233 = arith.constant 34 : i32
    %broadcast_in_dim3A_234 = vector.broadcast %jit3A_233 : i32 to vector<8x4096xi32>
    %select_n3A_235 = arith.select %gt3A_231, %broadcast_in_dim3A_234, %select_n3A_229 : vector<8x4096xi1>, vector<8x4096xi32>
    %slice3A_236 = vector.extract_strided_slice %sub3A_217 {offsets = [24, 0], sizes = [8, 4096], strides = [1, 1]} : vector<128x4096xf32> to vector<8x4096xf32>
    %gt3A_237 = arith.cmpf ogt, %slice3A_236, %max3A_232 : vector<8x4096xf32>
    %max3A_238 = arith.maximumf %slice3A_236, %max3A_232 : vector<8x4096xf32>
    %jit3A_239 = arith.constant 35 : i32
    %broadcast_in_dim3A_240 = vector.broadcast %jit3A_239 : i32 to vector<8x4096xi32>
    %select_n3A_241 = arith.select %gt3A_237, %broadcast_in_dim3A_240, %select_n3A_235 : vector<8x4096xi1>, vector<8x4096xi32>
    %slice3A_242 = vector.extract_strided_slice %sub3A_217 {offsets = [32, 0], sizes = [8, 4096], strides = [1, 1]} : vector<128x4096xf32> to vector<8x4096xf32>
    %gt3A_243 = arith.cmpf ogt, %slice3A_242, %max3A_238 : vector<8x4096xf32>
    %max3A_244 = arith.maximumf %slice3A_242, %max3A_238 : vector<8x4096xf32>
    %jit3A_245 = arith.constant 36 : i32
    %broadcast_in_dim3A_246 = vector.broadcast %jit3A_245 : i32 to vector<8x4096xi32>
    %select_n3A_247 = arith.select %gt3A_243, %broadcast_in_dim3A_246, %select_n3A_241 : vector<8x4096xi1>, vector<8x4096xi32>
    %slice3A_248 = vector.extract_strided_slice %sub3A_217 {offsets = [40, 0], sizes = [8, 4096], strides = [1, 1]} : vector<128x4096xf32> to vector<8x4096xf32>
    %gt3A_249 = arith.cmpf ogt, %slice3A_248, %max3A_244 : vector<8x4096xf32>
    %max3A_250 = arith.maximumf %slice3A_248, %max3A_244 : vector<8x4096xf32>
    %jit3A_251 = arith.constant 37 : i32
    %broadcast_in_dim3A_252 = vector.broadcast %jit3A_251 : i32 to vector<8x4096xi32>
    %select_n3A_253 = arith.select %gt3A_249, %broadcast_in_dim3A_252, %select_n3A_247 : vector<8x4096xi1>, vector<8x4096xi32>
    %slice3A_254 = vector.extract_strided_slice %sub3A_217 {offsets = [48, 0], sizes = [8, 4096], strides = [1, 1]} : vector<128x4096xf32> to vector<8x4096xf32>
    %gt3A_255 = arith.cmpf ogt, %slice3A_254, %max3A_250 : vector<8x4096xf32>
    %max3A_256 = arith.maximumf %slice3A_254, %max3A_250 : vector<8x4096xf32>
    %jit3A_257 = arith.constant 38 : i32
    %broadcast_in_dim3A_258 = vector.broadcast %jit3A_257 : i32 to vector<8x4096xi32>
    %select_n3A_259 = arith.select %gt3A_255, %broadcast_in_dim3A_258, %select_n3A_253 : vector<8x4096xi1>, vector<8x4096xi32>
    %slice3A_260 = vector.extract_strided_slice %sub3A_217 {offsets = [56, 0], sizes = [8, 4096], strides = [1, 1]} : vector<128x4096xf32> to vector<8x4096xf32>
    %gt3A_261 = arith.cmpf ogt, %slice3A_260, %max3A_256 : vector<8x4096xf32>
    %max3A_262 = arith.maximumf %slice3A_260, %max3A_256 : vector<8x4096xf32>
    %jit3A_263 = arith.constant 39 : i32
    %broadcast_in_dim3A_264 = vector.broadcast %jit3A_263 : i32 to vector<8x4096xi32>
    %select_n3A_265 = arith.select %gt3A_261, %broadcast_in_dim3A_264, %select_n3A_259 : vector<8x4096xi1>, vector<8x4096xi32>
    %slice3A_266 = vector.extract_strided_slice %sub3A_217 {offsets = [64, 0], sizes = [8, 4096], strides = [1, 1]} : vector<128x4096xf32> to vector<8x4096xf32>
    %gt3A_267 = arith.cmpf ogt, %slice3A_266, %max3A_262 : vector<8x4096xf32>
    %max3A_268 = arith.maximumf %slice3A_266, %max3A_262 : vector<8x4096xf32>
    %jit3A_269 = arith.constant 40 : i32
    %broadcast_in_dim3A_270 = vector.broadcast %jit3A_269 : i32 to vector<8x4096xi32>
    %select_n3A_271 = arith.select %gt3A_267, %broadcast_in_dim3A_270, %select_n3A_265 : vector<8x4096xi1>, vector<8x4096xi32>
    %slice3A_272 = vector.extract_strided_slice %sub3A_217 {offsets = [72, 0], sizes = [8, 4096], strides = [1, 1]} : vector<128x4096xf32> to vector<8x4096xf32>
    %gt3A_273 = arith.cmpf ogt, %slice3A_272, %max3A_268 : vector<8x4096xf32>
    %max3A_274 = arith.maximumf %slice3A_272, %max3A_268 : vector<8x4096xf32>
    %jit3A_275 = arith.constant 41 : i32
    %broadcast_in_dim3A_276 = vector.broadcast %jit3A_275 : i32 to vector<8x4096xi32>
    %select_n3A_277 = arith.select %gt3A_273, %broadcast_in_dim3A_276, %select_n3A_271 : vector<8x4096xi1>, vector<8x4096xi32>
    %slice3A_278 = vector.extract_strided_slice %sub3A_217 {offsets = [80, 0], sizes = [8, 4096], strides = [1, 1]} : vector<128x4096xf32> to vector<8x4096xf32>
    %gt3A_279 = arith.cmpf ogt, %slice3A_278, %max3A_274 : vector<8x4096xf32>
    %max3A_280 = arith.maximumf %slice3A_278, %max3A_274 : vector<8x4096xf32>
    %jit3A_281 = arith.constant 42 : i32
    %broadcast_in_dim3A_282 = vector.broadcast %jit3A_281 : i32 to vector<8x4096xi32>
    %select_n3A_283 = arith.select %gt3A_279, %broadcast_in_dim3A_282, %select_n3A_277 : vector<8x4096xi1>, vector<8x4096xi32>
    %slice3A_284 = vector.extract_strided_slice %sub3A_217 {offsets = [88, 0], sizes = [8, 4096], strides = [1, 1]} : vector<128x4096xf32> to vector<8x4096xf32>
    %gt3A_285 = arith.cmpf ogt, %slice3A_284, %max3A_280 : vector<8x4096xf32>
    %max3A_286 = arith.maximumf %slice3A_284, %max3A_280 : vector<8x4096xf32>
    %jit3A_287 = arith.constant 43 : i32
    %broadcast_in_dim3A_288 = vector.broadcast %jit3A_287 : i32 to vector<8x4096xi32>
    %select_n3A_289 = arith.select %gt3A_285, %broadcast_in_dim3A_288, %select_n3A_283 : vector<8x4096xi1>, vector<8x4096xi32>
    %slice3A_290 = vector.extract_strided_slice %sub3A_217 {offsets = [96, 0], sizes = [8, 4096], strides = [1, 1]} : vector<128x4096xf32> to vector<8x4096xf32>
    %gt3A_291 = arith.cmpf ogt, %slice3A_290, %max3A_286 : vector<8x4096xf32>
    %max3A_292 = arith.maximumf %slice3A_290, %max3A_286 : vector<8x4096xf32>
    %jit3A_293 = arith.constant 44 : i32
    %broadcast_in_dim3A_294 = vector.broadcast %jit3A_293 : i32 to vector<8x4096xi32>
    %select_n3A_295 = arith.select %gt3A_291, %broadcast_in_dim3A_294, %select_n3A_289 : vector<8x4096xi1>, vector<8x4096xi32>
    %slice3A_296 = vector.extract_strided_slice %sub3A_217 {offsets = [104, 0], sizes = [8, 4096], strides = [1, 1]} : vector<128x4096xf32> to vector<8x4096xf32>
    %gt3A_297 = arith.cmpf ogt, %slice3A_296, %max3A_292 : vector<8x4096xf32>
    %max3A_298 = arith.maximumf %slice3A_296, %max3A_292 : vector<8x4096xf32>
    %jit3A_299 = arith.constant 45 : i32
    %broadcast_in_dim3A_300 = vector.broadcast %jit3A_299 : i32 to vector<8x4096xi32>
    %select_n3A_301 = arith.select %gt3A_297, %broadcast_in_dim3A_300, %select_n3A_295 : vector<8x4096xi1>, vector<8x4096xi32>
    %slice3A_302 = vector.extract_strided_slice %sub3A_217 {offsets = [112, 0], sizes = [8, 4096], strides = [1, 1]} : vector<128x4096xf32> to vector<8x4096xf32>
    %gt3A_303 = arith.cmpf ogt, %slice3A_302, %max3A_298 : vector<8x4096xf32>
    %max3A_304 = arith.maximumf %slice3A_302, %max3A_298 : vector<8x4096xf32>
    %jit3A_305 = arith.constant 46 : i32
    %broadcast_in_dim3A_306 = vector.broadcast %jit3A_305 : i32 to vector<8x4096xi32>
    %select_n3A_307 = arith.select %gt3A_303, %broadcast_in_dim3A_306, %select_n3A_301 : vector<8x4096xi1>, vector<8x4096xi32>
    %slice3A_308 = vector.extract_strided_slice %sub3A_217 {offsets = [120, 0], sizes = [8, 4096], strides = [1, 1]} : vector<128x4096xf32> to vector<8x4096xf32>
    %gt3A_309 = arith.cmpf ogt, %slice3A_308, %max3A_304 : vector<8x4096xf32>
    %max3A_310 = arith.maximumf %slice3A_308, %max3A_304 : vector<8x4096xf32>
    %jit3A_311 = arith.constant 47 : i32
    %broadcast_in_dim3A_312 = vector.broadcast %jit3A_311 : i32 to vector<8x4096xi32>
    %select_n3A_313 = arith.select %gt3A_309, %broadcast_in_dim3A_312, %select_n3A_307 : vector<8x4096xi1>, vector<8x4096xi32>
    %slice3A_314 = vector.extract_strided_slice %mul3A_6 {offsets = [384, 0], sizes = [128, 128], strides = [1, 1]} : vector<1024x128xf32> to vector<128x128xf32>
    %dot_general3A_315 = arith.constant dense<0.000000e+00> : vector<128x4096xf32>
    %dot_general3A_316 = tpu.matmul %slice3A_314, %get3A_4, %dot_general3A_315 {dimension_numbers = #tpu.dot_dimension_numbers<[1], [1], [0], [0], [0, 0, 1, 0], [], []>, transpose_lhs_hint = false} : vector<128x128xf32>, vector<4096x128xf32>, vector<128x4096xf32> -> vector<128x4096xf32>
    %sub3A_317 = vector.broadcast %get3A_9 : vector<1x4096xf32> to vector<128x4096xf32>
    %sub3A_318 = arith.subf %dot_general3A_316, %sub3A_317 : vector<128x4096xf32>
    %slice3A_319 = vector.extract_strided_slice %get3A_12 {offsets = [384, 0], sizes = [128, 1], strides = [1, 1]} : vector<1024x1xf32> to vector<128x1xf32>
    %sub3A_320 = vector.broadcast %slice3A_319 : vector<128x1xf32> to vector<128x4096xf32>
    %sub3A_321 = arith.subf %sub3A_318, %sub3A_320 : vector<128x4096xf32>
    %slice3A_322 = vector.extract_strided_slice %sub3A_321 {offsets = [0, 0], sizes = [8, 4096], strides = [1, 1]} : vector<128x4096xf32> to vector<8x4096xf32>
    %gt3A_323 = arith.cmpf ogt, %slice3A_322, %max3A_310 : vector<8x4096xf32>
    %max3A_324 = arith.maximumf %slice3A_322, %max3A_310 : vector<8x4096xf32>
    %jit3A_325 = arith.constant 48 : i32
    %broadcast_in_dim3A_326 = vector.broadcast %jit3A_325 : i32 to vector<8x4096xi32>
    %select_n3A_327 = arith.select %gt3A_323, %broadcast_in_dim3A_326, %select_n3A_313 : vector<8x4096xi1>, vector<8x4096xi32>
    %slice3A_328 = vector.extract_strided_slice %sub3A_321 {offsets = [8, 0], sizes = [8, 4096], strides = [1, 1]} : vector<128x4096xf32> to vector<8x4096xf32>
    %gt3A_329 = arith.cmpf ogt, %slice3A_328, %max3A_324 : vector<8x4096xf32>
    %max3A_330 = arith.maximumf %slice3A_328, %max3A_324 : vector<8x4096xf32>
    %jit3A_331 = arith.constant 49 : i32
    %broadcast_in_dim3A_332 = vector.broadcast %jit3A_331 : i32 to vector<8x4096xi32>
    %select_n3A_333 = arith.select %gt3A_329, %broadcast_in_dim3A_332, %select_n3A_327 : vector<8x4096xi1>, vector<8x4096xi32>
    %slice3A_334 = vector.extract_strided_slice %sub3A_321 {offsets = [16, 0], sizes = [8, 4096], strides = [1, 1]} : vector<128x4096xf32> to vector<8x4096xf32>
    %gt3A_335 = arith.cmpf ogt, %slice3A_334, %max3A_330 : vector<8x4096xf32>
    %max3A_336 = arith.maximumf %slice3A_334, %max3A_330 : vector<8x4096xf32>
    %jit3A_337 = arith.constant 50 : i32
    %broadcast_in_dim3A_338 = vector.broadcast %jit3A_337 : i32 to vector<8x4096xi32>
    %select_n3A_339 = arith.select %gt3A_335, %broadcast_in_dim3A_338, %select_n3A_333 : vector<8x4096xi1>, vector<8x4096xi32>
    %slice3A_340 = vector.extract_strided_slice %sub3A_321 {offsets = [24, 0], sizes = [8, 4096], strides = [1, 1]} : vector<128x4096xf32> to vector<8x4096xf32>
    %gt3A_341 = arith.cmpf ogt, %slice3A_340, %max3A_336 : vector<8x4096xf32>
    %max3A_342 = arith.maximumf %slice3A_340, %max3A_336 : vector<8x4096xf32>
    %jit3A_343 = arith.constant 51 : i32
    %broadcast_in_dim3A_344 = vector.broadcast %jit3A_343 : i32 to vector<8x4096xi32>
    %select_n3A_345 = arith.select %gt3A_341, %broadcast_in_dim3A_344, %select_n3A_339 : vector<8x4096xi1>, vector<8x4096xi32>
    %slice3A_346 = vector.extract_strided_slice %sub3A_321 {offsets = [32, 0], sizes = [8, 4096], strides = [1, 1]} : vector<128x4096xf32> to vector<8x4096xf32>
    %gt3A_347 = arith.cmpf ogt, %slice3A_346, %max3A_342 : vector<8x4096xf32>
    %max3A_348 = arith.maximumf %slice3A_346, %max3A_342 : vector<8x4096xf32>
    %jit3A_349 = arith.constant 52 : i32
    %broadcast_in_dim3A_350 = vector.broadcast %jit3A_349 : i32 to vector<8x4096xi32>
    %select_n3A_351 = arith.select %gt3A_347, %broadcast_in_dim3A_350, %select_n3A_345 : vector<8x4096xi1>, vector<8x4096xi32>
    %slice3A_352 = vector.extract_strided_slice %sub3A_321 {offsets = [40, 0], sizes = [8, 4096], strides = [1, 1]} : vector<128x4096xf32> to vector<8x4096xf32>
    %gt3A_353 = arith.cmpf ogt, %slice3A_352, %max3A_348 : vector<8x4096xf32>
    %max3A_354 = arith.maximumf %slice3A_352, %max3A_348 : vector<8x4096xf32>
    %jit3A_355 = arith.constant 53 : i32
    %broadcast_in_dim3A_356 = vector.broadcast %jit3A_355 : i32 to vector<8x4096xi32>
    %select_n3A_357 = arith.select %gt3A_353, %broadcast_in_dim3A_356, %select_n3A_351 : vector<8x4096xi1>, vector<8x4096xi32>
    %slice3A_358 = vector.extract_strided_slice %sub3A_321 {offsets = [48, 0], sizes = [8, 4096], strides = [1, 1]} : vector<128x4096xf32> to vector<8x4096xf32>
    %gt3A_359 = arith.cmpf ogt, %slice3A_358, %max3A_354 : vector<8x4096xf32>
    %max3A_360 = arith.maximumf %slice3A_358, %max3A_354 : vector<8x4096xf32>
    %jit3A_361 = arith.constant 54 : i32
    %broadcast_in_dim3A_362 = vector.broadcast %jit3A_361 : i32 to vector<8x4096xi32>
    %select_n3A_363 = arith.select %gt3A_359, %broadcast_in_dim3A_362, %select_n3A_357 : vector<8x4096xi1>, vector<8x4096xi32>
    %slice3A_364 = vector.extract_strided_slice %sub3A_321 {offsets = [56, 0], sizes = [8, 4096], strides = [1, 1]} : vector<128x4096xf32> to vector<8x4096xf32>
    %gt3A_365 = arith.cmpf ogt, %slice3A_364, %max3A_360 : vector<8x4096xf32>
    %max3A_366 = arith.maximumf %slice3A_364, %max3A_360 : vector<8x4096xf32>
    %jit3A_367 = arith.constant 55 : i32
    %broadcast_in_dim3A_368 = vector.broadcast %jit3A_367 : i32 to vector<8x4096xi32>
    %select_n3A_369 = arith.select %gt3A_365, %broadcast_in_dim3A_368, %select_n3A_363 : vector<8x4096xi1>, vector<8x4096xi32>
    %slice3A_370 = vector.extract_strided_slice %sub3A_321 {offsets = [64, 0], sizes = [8, 4096], strides = [1, 1]} : vector<128x4096xf32> to vector<8x4096xf32>
    %gt3A_371 = arith.cmpf ogt, %slice3A_370, %max3A_366 : vector<8x4096xf32>
    %max3A_372 = arith.maximumf %slice3A_370, %max3A_366 : vector<8x4096xf32>
    %jit3A_373 = arith.constant 56 : i32
    %broadcast_in_dim3A_374 = vector.broadcast %jit3A_373 : i32 to vector<8x4096xi32>
    %select_n3A_375 = arith.select %gt3A_371, %broadcast_in_dim3A_374, %select_n3A_369 : vector<8x4096xi1>, vector<8x4096xi32>
    %slice3A_376 = vector.extract_strided_slice %sub3A_321 {offsets = [72, 0], sizes = [8, 4096], strides = [1, 1]} : vector<128x4096xf32> to vector<8x4096xf32>
    %gt3A_377 = arith.cmpf ogt, %slice3A_376, %max3A_372 : vector<8x4096xf32>
    %max3A_378 = arith.maximumf %slice3A_376, %max3A_372 : vector<8x4096xf32>
    %jit3A_379 = arith.constant 57 : i32
    %broadcast_in_dim3A_380 = vector.broadcast %jit3A_379 : i32 to vector<8x4096xi32>
    %select_n3A_381 = arith.select %gt3A_377, %broadcast_in_dim3A_380, %select_n3A_375 : vector<8x4096xi1>, vector<8x4096xi32>
    %slice3A_382 = vector.extract_strided_slice %sub3A_321 {offsets = [80, 0], sizes = [8, 4096], strides = [1, 1]} : vector<128x4096xf32> to vector<8x4096xf32>
    %gt3A_383 = arith.cmpf ogt, %slice3A_382, %max3A_378 : vector<8x4096xf32>
    %max3A_384 = arith.maximumf %slice3A_382, %max3A_378 : vector<8x4096xf32>
    %jit3A_385 = arith.constant 58 : i32
    %broadcast_in_dim3A_386 = vector.broadcast %jit3A_385 : i32 to vector<8x4096xi32>
    %select_n3A_387 = arith.select %gt3A_383, %broadcast_in_dim3A_386, %select_n3A_381 : vector<8x4096xi1>, vector<8x4096xi32>
    %slice3A_388 = vector.extract_strided_slice %sub3A_321 {offsets = [88, 0], sizes = [8, 4096], strides = [1, 1]} : vector<128x4096xf32> to vector<8x4096xf32>
    %gt3A_389 = arith.cmpf ogt, %slice3A_388, %max3A_384 : vector<8x4096xf32>
    %max3A_390 = arith.maximumf %slice3A_388, %max3A_384 : vector<8x4096xf32>
    %jit3A_391 = arith.constant 59 : i32
    %broadcast_in_dim3A_392 = vector.broadcast %jit3A_391 : i32 to vector<8x4096xi32>
    %select_n3A_393 = arith.select %gt3A_389, %broadcast_in_dim3A_392, %select_n3A_387 : vector<8x4096xi1>, vector<8x4096xi32>
    %slice3A_394 = vector.extract_strided_slice %sub3A_321 {offsets = [96, 0], sizes = [8, 4096], strides = [1, 1]} : vector<128x4096xf32> to vector<8x4096xf32>
    %gt3A_395 = arith.cmpf ogt, %slice3A_394, %max3A_390 : vector<8x4096xf32>
    %max3A_396 = arith.maximumf %slice3A_394, %max3A_390 : vector<8x4096xf32>
    %jit3A_397 = arith.constant 60 : i32
    %broadcast_in_dim3A_398 = vector.broadcast %jit3A_397 : i32 to vector<8x4096xi32>
    %select_n3A_399 = arith.select %gt3A_395, %broadcast_in_dim3A_398, %select_n3A_393 : vector<8x4096xi1>, vector<8x4096xi32>
    %slice3A_400 = vector.extract_strided_slice %sub3A_321 {offsets = [104, 0], sizes = [8, 4096], strides = [1, 1]} : vector<128x4096xf32> to vector<8x4096xf32>
    %gt3A_401 = arith.cmpf ogt, %slice3A_400, %max3A_396 : vector<8x4096xf32>
    %max3A_402 = arith.maximumf %slice3A_400, %max3A_396 : vector<8x4096xf32>
    %jit3A_403 = arith.constant 61 : i32
    %broadcast_in_dim3A_404 = vector.broadcast %jit3A_403 : i32 to vector<8x4096xi32>
    %select_n3A_405 = arith.select %gt3A_401, %broadcast_in_dim3A_404, %select_n3A_399 : vector<8x4096xi1>, vector<8x4096xi32>
    %slice3A_406 = vector.extract_strided_slice %sub3A_321 {offsets = [112, 0], sizes = [8, 4096], strides = [1, 1]} : vector<128x4096xf32> to vector<8x4096xf32>
    %gt3A_407 = arith.cmpf ogt, %slice3A_406, %max3A_402 : vector<8x4096xf32>
    %max3A_408 = arith.maximumf %slice3A_406, %max3A_402 : vector<8x4096xf32>
    %jit3A_409 = arith.constant 62 : i32
    %broadcast_in_dim3A_410 = vector.broadcast %jit3A_409 : i32 to vector<8x4096xi32>
    %select_n3A_411 = arith.select %gt3A_407, %broadcast_in_dim3A_410, %select_n3A_405 : vector<8x4096xi1>, vector<8x4096xi32>
    %slice3A_412 = vector.extract_strided_slice %sub3A_321 {offsets = [120, 0], sizes = [8, 4096], strides = [1, 1]} : vector<128x4096xf32> to vector<8x4096xf32>
    %gt3A_413 = arith.cmpf ogt, %slice3A_412, %max3A_408 : vector<8x4096xf32>
    %max3A_414 = arith.maximumf %slice3A_412, %max3A_408 : vector<8x4096xf32>
    %jit3A_415 = arith.constant 63 : i32
    %broadcast_in_dim3A_416 = vector.broadcast %jit3A_415 : i32 to vector<8x4096xi32>
    %select_n3A_417 = arith.select %gt3A_413, %broadcast_in_dim3A_416, %select_n3A_411 : vector<8x4096xi1>, vector<8x4096xi32>
    %slice3A_418 = vector.extract_strided_slice %mul3A_6 {offsets = [512, 0], sizes = [128, 128], strides = [1, 1]} : vector<1024x128xf32> to vector<128x128xf32>
    %dot_general3A_419 = arith.constant dense<0.000000e+00> : vector<128x4096xf32>
    %dot_general3A_420 = tpu.matmul %slice3A_418, %get3A_4, %dot_general3A_419 {dimension_numbers = #tpu.dot_dimension_numbers<[1], [1], [0], [0], [0, 0, 1, 0], [], []>, transpose_lhs_hint = false} : vector<128x128xf32>, vector<4096x128xf32>, vector<128x4096xf32> -> vector<128x4096xf32>
    %sub3A_421 = vector.broadcast %get3A_9 : vector<1x4096xf32> to vector<128x4096xf32>
    %sub3A_422 = arith.subf %dot_general3A_420, %sub3A_421 : vector<128x4096xf32>
    %slice3A_423 = vector.extract_strided_slice %get3A_12 {offsets = [512, 0], sizes = [128, 1], strides = [1, 1]} : vector<1024x1xf32> to vector<128x1xf32>
    %sub3A_424 = vector.broadcast %slice3A_423 : vector<128x1xf32> to vector<128x4096xf32>
    %sub3A_425 = arith.subf %sub3A_422, %sub3A_424 : vector<128x4096xf32>
    %slice3A_426 = vector.extract_strided_slice %sub3A_425 {offsets = [0, 0], sizes = [8, 4096], strides = [1, 1]} : vector<128x4096xf32> to vector<8x4096xf32>
    %gt3A_427 = arith.cmpf ogt, %slice3A_426, %max3A_414 : vector<8x4096xf32>
    %max3A_428 = arith.maximumf %slice3A_426, %max3A_414 : vector<8x4096xf32>
    %jit3A_429 = arith.constant 64 : i32
    %broadcast_in_dim3A_430 = vector.broadcast %jit3A_429 : i32 to vector<8x4096xi32>
    %select_n3A_431 = arith.select %gt3A_427, %broadcast_in_dim3A_430, %select_n3A_417 : vector<8x4096xi1>, vector<8x4096xi32>
    %slice3A_432 = vector.extract_strided_slice %sub3A_425 {offsets = [8, 0], sizes = [8, 4096], strides = [1, 1]} : vector<128x4096xf32> to vector<8x4096xf32>
    %gt3A_433 = arith.cmpf ogt, %slice3A_432, %max3A_428 : vector<8x4096xf32>
    %max3A_434 = arith.maximumf %slice3A_432, %max3A_428 : vector<8x4096xf32>
    %jit3A_435 = arith.constant 65 : i32
    %broadcast_in_dim3A_436 = vector.broadcast %jit3A_435 : i32 to vector<8x4096xi32>
    %select_n3A_437 = arith.select %gt3A_433, %broadcast_in_dim3A_436, %select_n3A_431 : vector<8x4096xi1>, vector<8x4096xi32>
    %slice3A_438 = vector.extract_strided_slice %sub3A_425 {offsets = [16, 0], sizes = [8, 4096], strides = [1, 1]} : vector<128x4096xf32> to vector<8x4096xf32>
    %gt3A_439 = arith.cmpf ogt, %slice3A_438, %max3A_434 : vector<8x4096xf32>
    %max3A_440 = arith.maximumf %slice3A_438, %max3A_434 : vector<8x4096xf32>
    %jit3A_441 = arith.constant 66 : i32
    %broadcast_in_dim3A_442 = vector.broadcast %jit3A_441 : i32 to vector<8x4096xi32>
    %select_n3A_443 = arith.select %gt3A_439, %broadcast_in_dim3A_442, %select_n3A_437 : vector<8x4096xi1>, vector<8x4096xi32>
    %slice3A_444 = vector.extract_strided_slice %sub3A_425 {offsets = [24, 0], sizes = [8, 4096], strides = [1, 1]} : vector<128x4096xf32> to vector<8x4096xf32>
    %gt3A_445 = arith.cmpf ogt, %slice3A_444, %max3A_440 : vector<8x4096xf32>
    %max3A_446 = arith.maximumf %slice3A_444, %max3A_440 : vector<8x4096xf32>
    %jit3A_447 = arith.constant 67 : i32
    %broadcast_in_dim3A_448 = vector.broadcast %jit3A_447 : i32 to vector<8x4096xi32>
    %select_n3A_449 = arith.select %gt3A_445, %broadcast_in_dim3A_448, %select_n3A_443 : vector<8x4096xi1>, vector<8x4096xi32>
    %slice3A_450 = vector.extract_strided_slice %sub3A_425 {offsets = [32, 0], sizes = [8, 4096], strides = [1, 1]} : vector<128x4096xf32> to vector<8x4096xf32>
    %gt3A_451 = arith.cmpf ogt, %slice3A_450, %max3A_446 : vector<8x4096xf32>
    %max3A_452 = arith.maximumf %slice3A_450, %max3A_446 : vector<8x4096xf32>
    %jit3A_453 = arith.constant 68 : i32
    %broadcast_in_dim3A_454 = vector.broadcast %jit3A_453 : i32 to vector<8x4096xi32>
    %select_n3A_455 = arith.select %gt3A_451, %broadcast_in_dim3A_454, %select_n3A_449 : vector<8x4096xi1>, vector<8x4096xi32>
    %slice3A_456 = vector.extract_strided_slice %sub3A_425 {offsets = [40, 0], sizes = [8, 4096], strides = [1, 1]} : vector<128x4096xf32> to vector<8x4096xf32>
    %gt3A_457 = arith.cmpf ogt, %slice3A_456, %max3A_452 : vector<8x4096xf32>
    %max3A_458 = arith.maximumf %slice3A_456, %max3A_452 : vector<8x4096xf32>
    %jit3A_459 = arith.constant 69 : i32
    %broadcast_in_dim3A_460 = vector.broadcast %jit3A_459 : i32 to vector<8x4096xi32>
    %select_n3A_461 = arith.select %gt3A_457, %broadcast_in_dim3A_460, %select_n3A_455 : vector<8x4096xi1>, vector<8x4096xi32>
    %slice3A_462 = vector.extract_strided_slice %sub3A_425 {offsets = [48, 0], sizes = [8, 4096], strides = [1, 1]} : vector<128x4096xf32> to vector<8x4096xf32>
    %gt3A_463 = arith.cmpf ogt, %slice3A_462, %max3A_458 : vector<8x4096xf32>
    %max3A_464 = arith.maximumf %slice3A_462, %max3A_458 : vector<8x4096xf32>
    %jit3A_465 = arith.constant 70 : i32
    %broadcast_in_dim3A_466 = vector.broadcast %jit3A_465 : i32 to vector<8x4096xi32>
    %select_n3A_467 = arith.select %gt3A_463, %broadcast_in_dim3A_466, %select_n3A_461 : vector<8x4096xi1>, vector<8x4096xi32>
    %slice3A_468 = vector.extract_strided_slice %sub3A_425 {offsets = [56, 0], sizes = [8, 4096], strides = [1, 1]} : vector<128x4096xf32> to vector<8x4096xf32>
    %gt3A_469 = arith.cmpf ogt, %slice3A_468, %max3A_464 : vector<8x4096xf32>
    %max3A_470 = arith.maximumf %slice3A_468, %max3A_464 : vector<8x4096xf32>
    %jit3A_471 = arith.constant 71 : i32
    %broadcast_in_dim3A_472 = vector.broadcast %jit3A_471 : i32 to vector<8x4096xi32>
    %select_n3A_473 = arith.select %gt3A_469, %broadcast_in_dim3A_472, %select_n3A_467 : vector<8x4096xi1>, vector<8x4096xi32>
    %slice3A_474 = vector.extract_strided_slice %sub3A_425 {offsets = [64, 0], sizes = [8, 4096], strides = [1, 1]} : vector<128x4096xf32> to vector<8x4096xf32>
    %gt3A_475 = arith.cmpf ogt, %slice3A_474, %max3A_470 : vector<8x4096xf32>
    %max3A_476 = arith.maximumf %slice3A_474, %max3A_470 : vector<8x4096xf32>
    %jit3A_477 = arith.constant 72 : i32
    %broadcast_in_dim3A_478 = vector.broadcast %jit3A_477 : i32 to vector<8x4096xi32>
    %select_n3A_479 = arith.select %gt3A_475, %broadcast_in_dim3A_478, %select_n3A_473 : vector<8x4096xi1>, vector<8x4096xi32>
    %slice3A_480 = vector.extract_strided_slice %sub3A_425 {offsets = [72, 0], sizes = [8, 4096], strides = [1, 1]} : vector<128x4096xf32> to vector<8x4096xf32>
    %gt3A_481 = arith.cmpf ogt, %slice3A_480, %max3A_476 : vector<8x4096xf32>
    %max3A_482 = arith.maximumf %slice3A_480, %max3A_476 : vector<8x4096xf32>
    %jit3A_483 = arith.constant 73 : i32
    %broadcast_in_dim3A_484 = vector.broadcast %jit3A_483 : i32 to vector<8x4096xi32>
    %select_n3A_485 = arith.select %gt3A_481, %broadcast_in_dim3A_484, %select_n3A_479 : vector<8x4096xi1>, vector<8x4096xi32>
    %slice3A_486 = vector.extract_strided_slice %sub3A_425 {offsets = [80, 0], sizes = [8, 4096], strides = [1, 1]} : vector<128x4096xf32> to vector<8x4096xf32>
    %gt3A_487 = arith.cmpf ogt, %slice3A_486, %max3A_482 : vector<8x4096xf32>
    %max3A_488 = arith.maximumf %slice3A_486, %max3A_482 : vector<8x4096xf32>
    %jit3A_489 = arith.constant 74 : i32
    %broadcast_in_dim3A_490 = vector.broadcast %jit3A_489 : i32 to vector<8x4096xi32>
    %select_n3A_491 = arith.select %gt3A_487, %broadcast_in_dim3A_490, %select_n3A_485 : vector<8x4096xi1>, vector<8x4096xi32>
    %slice3A_492 = vector.extract_strided_slice %sub3A_425 {offsets = [88, 0], sizes = [8, 4096], strides = [1, 1]} : vector<128x4096xf32> to vector<8x4096xf32>
    %gt3A_493 = arith.cmpf ogt, %slice3A_492, %max3A_488 : vector<8x4096xf32>
    %max3A_494 = arith.maximumf %slice3A_492, %max3A_488 : vector<8x4096xf32>
    %jit3A_495 = arith.constant 75 : i32
    %broadcast_in_dim3A_496 = vector.broadcast %jit3A_495 : i32 to vector<8x4096xi32>
    %select_n3A_497 = arith.select %gt3A_493, %broadcast_in_dim3A_496, %select_n3A_491 : vector<8x4096xi1>, vector<8x4096xi32>
    %slice3A_498 = vector.extract_strided_slice %sub3A_425 {offsets = [96, 0], sizes = [8, 4096], strides = [1, 1]} : vector<128x4096xf32> to vector<8x4096xf32>
    %gt3A_499 = arith.cmpf ogt, %slice3A_498, %max3A_494 : vector<8x4096xf32>
    %max3A_500 = arith.maximumf %slice3A_498, %max3A_494 : vector<8x4096xf32>
    %jit3A_501 = arith.constant 76 : i32
    %broadcast_in_dim3A_502 = vector.broadcast %jit3A_501 : i32 to vector<8x4096xi32>
    %select_n3A_503 = arith.select %gt3A_499, %broadcast_in_dim3A_502, %select_n3A_497 : vector<8x4096xi1>, vector<8x4096xi32>
    %slice3A_504 = vector.extract_strided_slice %sub3A_425 {offsets = [104, 0], sizes = [8, 4096], strides = [1, 1]} : vector<128x4096xf32> to vector<8x4096xf32>
    %gt3A_505 = arith.cmpf ogt, %slice3A_504, %max3A_500 : vector<8x4096xf32>
    %max3A_506 = arith.maximumf %slice3A_504, %max3A_500 : vector<8x4096xf32>
    %jit3A_507 = arith.constant 77 : i32
    %broadcast_in_dim3A_508 = vector.broadcast %jit3A_507 : i32 to vector<8x4096xi32>
    %select_n3A_509 = arith.select %gt3A_505, %broadcast_in_dim3A_508, %select_n3A_503 : vector<8x4096xi1>, vector<8x4096xi32>
    %slice3A_510 = vector.extract_strided_slice %sub3A_425 {offsets = [112, 0], sizes = [8, 4096], strides = [1, 1]} : vector<128x4096xf32> to vector<8x4096xf32>
    %gt3A_511 = arith.cmpf ogt, %slice3A_510, %max3A_506 : vector<8x4096xf32>
    %max3A_512 = arith.maximumf %slice3A_510, %max3A_506 : vector<8x4096xf32>
    %jit3A_513 = arith.constant 78 : i32
    %broadcast_in_dim3A_514 = vector.broadcast %jit3A_513 : i32 to vector<8x4096xi32>
    %select_n3A_515 = arith.select %gt3A_511, %broadcast_in_dim3A_514, %select_n3A_509 : vector<8x4096xi1>, vector<8x4096xi32>
    %slice3A_516 = vector.extract_strided_slice %sub3A_425 {offsets = [120, 0], sizes = [8, 4096], strides = [1, 1]} : vector<128x4096xf32> to vector<8x4096xf32>
    %gt3A_517 = arith.cmpf ogt, %slice3A_516, %max3A_512 : vector<8x4096xf32>
    %max3A_518 = arith.maximumf %slice3A_516, %max3A_512 : vector<8x4096xf32>
    %jit3A_519 = arith.constant 79 : i32
    %broadcast_in_dim3A_520 = vector.broadcast %jit3A_519 : i32 to vector<8x4096xi32>
    %select_n3A_521 = arith.select %gt3A_517, %broadcast_in_dim3A_520, %select_n3A_515 : vector<8x4096xi1>, vector<8x4096xi32>
    %slice3A_522 = vector.extract_strided_slice %mul3A_6 {offsets = [640, 0], sizes = [128, 128], strides = [1, 1]} : vector<1024x128xf32> to vector<128x128xf32>
    %dot_general3A_523 = arith.constant dense<0.000000e+00> : vector<128x4096xf32>
    %dot_general3A_524 = tpu.matmul %slice3A_522, %get3A_4, %dot_general3A_523 {dimension_numbers = #tpu.dot_dimension_numbers<[1], [1], [0], [0], [0, 0, 1, 0], [], []>, transpose_lhs_hint = false} : vector<128x128xf32>, vector<4096x128xf32>, vector<128x4096xf32> -> vector<128x4096xf32>
    %sub3A_525 = vector.broadcast %get3A_9 : vector<1x4096xf32> to vector<128x4096xf32>
    %sub3A_526 = arith.subf %dot_general3A_524, %sub3A_525 : vector<128x4096xf32>
    %slice3A_527 = vector.extract_strided_slice %get3A_12 {offsets = [640, 0], sizes = [128, 1], strides = [1, 1]} : vector<1024x1xf32> to vector<128x1xf32>
    %sub3A_528 = vector.broadcast %slice3A_527 : vector<128x1xf32> to vector<128x4096xf32>
    %sub3A_529 = arith.subf %sub3A_526, %sub3A_528 : vector<128x4096xf32>
    %slice3A_530 = vector.extract_strided_slice %sub3A_529 {offsets = [0, 0], sizes = [8, 4096], strides = [1, 1]} : vector<128x4096xf32> to vector<8x4096xf32>
    %gt3A_531 = arith.cmpf ogt, %slice3A_530, %max3A_518 : vector<8x4096xf32>
    %max3A_532 = arith.maximumf %slice3A_530, %max3A_518 : vector<8x4096xf32>
    %jit3A_533 = arith.constant 80 : i32
    %broadcast_in_dim3A_534 = vector.broadcast %jit3A_533 : i32 to vector<8x4096xi32>
    %select_n3A_535 = arith.select %gt3A_531, %broadcast_in_dim3A_534, %select_n3A_521 : vector<8x4096xi1>, vector<8x4096xi32>
    %slice3A_536 = vector.extract_strided_slice %sub3A_529 {offsets = [8, 0], sizes = [8, 4096], strides = [1, 1]} : vector<128x4096xf32> to vector<8x4096xf32>
    %gt3A_537 = arith.cmpf ogt, %slice3A_536, %max3A_532 : vector<8x4096xf32>
    %max3A_538 = arith.maximumf %slice3A_536, %max3A_532 : vector<8x4096xf32>
    %jit3A_539 = arith.constant 81 : i32
    %broadcast_in_dim3A_540 = vector.broadcast %jit3A_539 : i32 to vector<8x4096xi32>
    %select_n3A_541 = arith.select %gt3A_537, %broadcast_in_dim3A_540, %select_n3A_535 : vector<8x4096xi1>, vector<8x4096xi32>
    %slice3A_542 = vector.extract_strided_slice %sub3A_529 {offsets = [16, 0], sizes = [8, 4096], strides = [1, 1]} : vector<128x4096xf32> to vector<8x4096xf32>
    %gt3A_543 = arith.cmpf ogt, %slice3A_542, %max3A_538 : vector<8x4096xf32>
    %max3A_544 = arith.maximumf %slice3A_542, %max3A_538 : vector<8x4096xf32>
    %jit3A_545 = arith.constant 82 : i32
    %broadcast_in_dim3A_546 = vector.broadcast %jit3A_545 : i32 to vector<8x4096xi32>
    %select_n3A_547 = arith.select %gt3A_543, %broadcast_in_dim3A_546, %select_n3A_541 : vector<8x4096xi1>, vector<8x4096xi32>
    %slice3A_548 = vector.extract_strided_slice %sub3A_529 {offsets = [24, 0], sizes = [8, 4096], strides = [1, 1]} : vector<128x4096xf32> to vector<8x4096xf32>
    %gt3A_549 = arith.cmpf ogt, %slice3A_548, %max3A_544 : vector<8x4096xf32>
    %max3A_550 = arith.maximumf %slice3A_548, %max3A_544 : vector<8x4096xf32>
    %jit3A_551 = arith.constant 83 : i32
    %broadcast_in_dim3A_552 = vector.broadcast %jit3A_551 : i32 to vector<8x4096xi32>
    %select_n3A_553 = arith.select %gt3A_549, %broadcast_in_dim3A_552, %select_n3A_547 : vector<8x4096xi1>, vector<8x4096xi32>
    %slice3A_554 = vector.extract_strided_slice %sub3A_529 {offsets = [32, 0], sizes = [8, 4096], strides = [1, 1]} : vector<128x4096xf32> to vector<8x4096xf32>
    %gt3A_555 = arith.cmpf ogt, %slice3A_554, %max3A_550 : vector<8x4096xf32>
    %max3A_556 = arith.maximumf %slice3A_554, %max3A_550 : vector<8x4096xf32>
    %jit3A_557 = arith.constant 84 : i32
    %broadcast_in_dim3A_558 = vector.broadcast %jit3A_557 : i32 to vector<8x4096xi32>
    %select_n3A_559 = arith.select %gt3A_555, %broadcast_in_dim3A_558, %select_n3A_553 : vector<8x4096xi1>, vector<8x4096xi32>
    %slice3A_560 = vector.extract_strided_slice %sub3A_529 {offsets = [40, 0], sizes = [8, 4096], strides = [1, 1]} : vector<128x4096xf32> to vector<8x4096xf32>
    %gt3A_561 = arith.cmpf ogt, %slice3A_560, %max3A_556 : vector<8x4096xf32>
    %max3A_562 = arith.maximumf %slice3A_560, %max3A_556 : vector<8x4096xf32>
    %jit3A_563 = arith.constant 85 : i32
    %broadcast_in_dim3A_564 = vector.broadcast %jit3A_563 : i32 to vector<8x4096xi32>
    %select_n3A_565 = arith.select %gt3A_561, %broadcast_in_dim3A_564, %select_n3A_559 : vector<8x4096xi1>, vector<8x4096xi32>
    %slice3A_566 = vector.extract_strided_slice %sub3A_529 {offsets = [48, 0], sizes = [8, 4096], strides = [1, 1]} : vector<128x4096xf32> to vector<8x4096xf32>
    %gt3A_567 = arith.cmpf ogt, %slice3A_566, %max3A_562 : vector<8x4096xf32>
    %max3A_568 = arith.maximumf %slice3A_566, %max3A_562 : vector<8x4096xf32>
    %jit3A_569 = arith.constant 86 : i32
    %broadcast_in_dim3A_570 = vector.broadcast %jit3A_569 : i32 to vector<8x4096xi32>
    %select_n3A_571 = arith.select %gt3A_567, %broadcast_in_dim3A_570, %select_n3A_565 : vector<8x4096xi1>, vector<8x4096xi32>
    %slice3A_572 = vector.extract_strided_slice %sub3A_529 {offsets = [56, 0], sizes = [8, 4096], strides = [1, 1]} : vector<128x4096xf32> to vector<8x4096xf32>
    %gt3A_573 = arith.cmpf ogt, %slice3A_572, %max3A_568 : vector<8x4096xf32>
    %max3A_574 = arith.maximumf %slice3A_572, %max3A_568 : vector<8x4096xf32>
    %jit3A_575 = arith.constant 87 : i32
    %broadcast_in_dim3A_576 = vector.broadcast %jit3A_575 : i32 to vector<8x4096xi32>
    %select_n3A_577 = arith.select %gt3A_573, %broadcast_in_dim3A_576, %select_n3A_571 : vector<8x4096xi1>, vector<8x4096xi32>
    %slice3A_578 = vector.extract_strided_slice %sub3A_529 {offsets = [64, 0], sizes = [8, 4096], strides = [1, 1]} : vector<128x4096xf32> to vector<8x4096xf32>
    %gt3A_579 = arith.cmpf ogt, %slice3A_578, %max3A_574 : vector<8x4096xf32>
    %max3A_580 = arith.maximumf %slice3A_578, %max3A_574 : vector<8x4096xf32>
    %jit3A_581 = arith.constant 88 : i32
    %broadcast_in_dim3A_582 = vector.broadcast %jit3A_581 : i32 to vector<8x4096xi32>
    %select_n3A_583 = arith.select %gt3A_579, %broadcast_in_dim3A_582, %select_n3A_577 : vector<8x4096xi1>, vector<8x4096xi32>
    %slice3A_584 = vector.extract_strided_slice %sub3A_529 {offsets = [72, 0], sizes = [8, 4096], strides = [1, 1]} : vector<128x4096xf32> to vector<8x4096xf32>
    %gt3A_585 = arith.cmpf ogt, %slice3A_584, %max3A_580 : vector<8x4096xf32>
    %max3A_586 = arith.maximumf %slice3A_584, %max3A_580 : vector<8x4096xf32>
    %jit3A_587 = arith.constant 89 : i32
    %broadcast_in_dim3A_588 = vector.broadcast %jit3A_587 : i32 to vector<8x4096xi32>
    %select_n3A_589 = arith.select %gt3A_585, %broadcast_in_dim3A_588, %select_n3A_583 : vector<8x4096xi1>, vector<8x4096xi32>
    %slice3A_590 = vector.extract_strided_slice %sub3A_529 {offsets = [80, 0], sizes = [8, 4096], strides = [1, 1]} : vector<128x4096xf32> to vector<8x4096xf32>
    %gt3A_591 = arith.cmpf ogt, %slice3A_590, %max3A_586 : vector<8x4096xf32>
    %max3A_592 = arith.maximumf %slice3A_590, %max3A_586 : vector<8x4096xf32>
    %jit3A_593 = arith.constant 90 : i32
    %broadcast_in_dim3A_594 = vector.broadcast %jit3A_593 : i32 to vector<8x4096xi32>
    %select_n3A_595 = arith.select %gt3A_591, %broadcast_in_dim3A_594, %select_n3A_589 : vector<8x4096xi1>, vector<8x4096xi32>
    %slice3A_596 = vector.extract_strided_slice %sub3A_529 {offsets = [88, 0], sizes = [8, 4096], strides = [1, 1]} : vector<128x4096xf32> to vector<8x4096xf32>
    %gt3A_597 = arith.cmpf ogt, %slice3A_596, %max3A_592 : vector<8x4096xf32>
    %max3A_598 = arith.maximumf %slice3A_596, %max3A_592 : vector<8x4096xf32>
    %jit3A_599 = arith.constant 91 : i32
    %broadcast_in_dim3A_600 = vector.broadcast %jit3A_599 : i32 to vector<8x4096xi32>
    %select_n3A_601 = arith.select %gt3A_597, %broadcast_in_dim3A_600, %select_n3A_595 : vector<8x4096xi1>, vector<8x4096xi32>
    %slice3A_602 = vector.extract_strided_slice %sub3A_529 {offsets = [96, 0], sizes = [8, 4096], strides = [1, 1]} : vector<128x4096xf32> to vector<8x4096xf32>
    %gt3A_603 = arith.cmpf ogt, %slice3A_602, %max3A_598 : vector<8x4096xf32>
    %max3A_604 = arith.maximumf %slice3A_602, %max3A_598 : vector<8x4096xf32>
    %jit3A_605 = arith.constant 92 : i32
    %broadcast_in_dim3A_606 = vector.broadcast %jit3A_605 : i32 to vector<8x4096xi32>
    %select_n3A_607 = arith.select %gt3A_603, %broadcast_in_dim3A_606, %select_n3A_601 : vector<8x4096xi1>, vector<8x4096xi32>
    %slice3A_608 = vector.extract_strided_slice %sub3A_529 {offsets = [104, 0], sizes = [8, 4096], strides = [1, 1]} : vector<128x4096xf32> to vector<8x4096xf32>
    %gt3A_609 = arith.cmpf ogt, %slice3A_608, %max3A_604 : vector<8x4096xf32>
    %max3A_610 = arith.maximumf %slice3A_608, %max3A_604 : vector<8x4096xf32>
    %jit3A_611 = arith.constant 93 : i32
    %broadcast_in_dim3A_612 = vector.broadcast %jit3A_611 : i32 to vector<8x4096xi32>
    %select_n3A_613 = arith.select %gt3A_609, %broadcast_in_dim3A_612, %select_n3A_607 : vector<8x4096xi1>, vector<8x4096xi32>
    %slice3A_614 = vector.extract_strided_slice %sub3A_529 {offsets = [112, 0], sizes = [8, 4096], strides = [1, 1]} : vector<128x4096xf32> to vector<8x4096xf32>
    %gt3A_615 = arith.cmpf ogt, %slice3A_614, %max3A_610 : vector<8x4096xf32>
    %max3A_616 = arith.maximumf %slice3A_614, %max3A_610 : vector<8x4096xf32>
    %jit3A_617 = arith.constant 94 : i32
    %broadcast_in_dim3A_618 = vector.broadcast %jit3A_617 : i32 to vector<8x4096xi32>
    %select_n3A_619 = arith.select %gt3A_615, %broadcast_in_dim3A_618, %select_n3A_613 : vector<8x4096xi1>, vector<8x4096xi32>
    %slice3A_620 = vector.extract_strided_slice %sub3A_529 {offsets = [120, 0], sizes = [8, 4096], strides = [1, 1]} : vector<128x4096xf32> to vector<8x4096xf32>
    %gt3A_621 = arith.cmpf ogt, %slice3A_620, %max3A_616 : vector<8x4096xf32>
    %max3A_622 = arith.maximumf %slice3A_620, %max3A_616 : vector<8x4096xf32>
    %jit3A_623 = arith.constant 95 : i32
    %broadcast_in_dim3A_624 = vector.broadcast %jit3A_623 : i32 to vector<8x4096xi32>
    %select_n3A_625 = arith.select %gt3A_621, %broadcast_in_dim3A_624, %select_n3A_619 : vector<8x4096xi1>, vector<8x4096xi32>
    %slice3A_626 = vector.extract_strided_slice %mul3A_6 {offsets = [768, 0], sizes = [128, 128], strides = [1, 1]} : vector<1024x128xf32> to vector<128x128xf32>
    %dot_general3A_627 = arith.constant dense<0.000000e+00> : vector<128x4096xf32>
    %dot_general3A_628 = tpu.matmul %slice3A_626, %get3A_4, %dot_general3A_627 {dimension_numbers = #tpu.dot_dimension_numbers<[1], [1], [0], [0], [0, 0, 1, 0], [], []>, transpose_lhs_hint = false} : vector<128x128xf32>, vector<4096x128xf32>, vector<128x4096xf32> -> vector<128x4096xf32>
    %sub3A_629 = vector.broadcast %get3A_9 : vector<1x4096xf32> to vector<128x4096xf32>
    %sub3A_630 = arith.subf %dot_general3A_628, %sub3A_629 : vector<128x4096xf32>
    %slice3A_631 = vector.extract_strided_slice %get3A_12 {offsets = [768, 0], sizes = [128, 1], strides = [1, 1]} : vector<1024x1xf32> to vector<128x1xf32>
    %sub3A_632 = vector.broadcast %slice3A_631 : vector<128x1xf32> to vector<128x4096xf32>
    %sub3A_633 = arith.subf %sub3A_630, %sub3A_632 : vector<128x4096xf32>
    %slice3A_634 = vector.extract_strided_slice %sub3A_633 {offsets = [0, 0], sizes = [8, 4096], strides = [1, 1]} : vector<128x4096xf32> to vector<8x4096xf32>
    %gt3A_635 = arith.cmpf ogt, %slice3A_634, %max3A_622 : vector<8x4096xf32>
    %max3A_636 = arith.maximumf %slice3A_634, %max3A_622 : vector<8x4096xf32>
    %jit3A_637 = arith.constant 96 : i32
    %broadcast_in_dim3A_638 = vector.broadcast %jit3A_637 : i32 to vector<8x4096xi32>
    %select_n3A_639 = arith.select %gt3A_635, %broadcast_in_dim3A_638, %select_n3A_625 : vector<8x4096xi1>, vector<8x4096xi32>
    %slice3A_640 = vector.extract_strided_slice %sub3A_633 {offsets = [8, 0], sizes = [8, 4096], strides = [1, 1]} : vector<128x4096xf32> to vector<8x4096xf32>
    %gt3A_641 = arith.cmpf ogt, %slice3A_640, %max3A_636 : vector<8x4096xf32>
    %max3A_642 = arith.maximumf %slice3A_640, %max3A_636 : vector<8x4096xf32>
    %jit3A_643 = arith.constant 97 : i32
    %broadcast_in_dim3A_644 = vector.broadcast %jit3A_643 : i32 to vector<8x4096xi32>
    %select_n3A_645 = arith.select %gt3A_641, %broadcast_in_dim3A_644, %select_n3A_639 : vector<8x4096xi1>, vector<8x4096xi32>
    %slice3A_646 = vector.extract_strided_slice %sub3A_633 {offsets = [16, 0], sizes = [8, 4096], strides = [1, 1]} : vector<128x4096xf32> to vector<8x4096xf32>
    %gt3A_647 = arith.cmpf ogt, %slice3A_646, %max3A_642 : vector<8x4096xf32>
    %max3A_648 = arith.maximumf %slice3A_646, %max3A_642 : vector<8x4096xf32>
    %jit3A_649 = arith.constant 98 : i32
    %broadcast_in_dim3A_650 = vector.broadcast %jit3A_649 : i32 to vector<8x4096xi32>
    %select_n3A_651 = arith.select %gt3A_647, %broadcast_in_dim3A_650, %select_n3A_645 : vector<8x4096xi1>, vector<8x4096xi32>
    %slice3A_652 = vector.extract_strided_slice %sub3A_633 {offsets = [24, 0], sizes = [8, 4096], strides = [1, 1]} : vector<128x4096xf32> to vector<8x4096xf32>
    %gt3A_653 = arith.cmpf ogt, %slice3A_652, %max3A_648 : vector<8x4096xf32>
    %max3A_654 = arith.maximumf %slice3A_652, %max3A_648 : vector<8x4096xf32>
    %jit3A_655 = arith.constant 99 : i32
    %broadcast_in_dim3A_656 = vector.broadcast %jit3A_655 : i32 to vector<8x4096xi32>
    %select_n3A_657 = arith.select %gt3A_653, %broadcast_in_dim3A_656, %select_n3A_651 : vector<8x4096xi1>, vector<8x4096xi32>
    %slice3A_658 = vector.extract_strided_slice %sub3A_633 {offsets = [32, 0], sizes = [8, 4096], strides = [1, 1]} : vector<128x4096xf32> to vector<8x4096xf32>
    %gt3A_659 = arith.cmpf ogt, %slice3A_658, %max3A_654 : vector<8x4096xf32>
    %max3A_660 = arith.maximumf %slice3A_658, %max3A_654 : vector<8x4096xf32>
    %jit3A_661 = arith.constant 100 : i32
    %broadcast_in_dim3A_662 = vector.broadcast %jit3A_661 : i32 to vector<8x4096xi32>
    %select_n3A_663 = arith.select %gt3A_659, %broadcast_in_dim3A_662, %select_n3A_657 : vector<8x4096xi1>, vector<8x4096xi32>
    %slice3A_664 = vector.extract_strided_slice %sub3A_633 {offsets = [40, 0], sizes = [8, 4096], strides = [1, 1]} : vector<128x4096xf32> to vector<8x4096xf32>
    %gt3A_665 = arith.cmpf ogt, %slice3A_664, %max3A_660 : vector<8x4096xf32>
    %max3A_666 = arith.maximumf %slice3A_664, %max3A_660 : vector<8x4096xf32>
    %jit3A_667 = arith.constant 101 : i32
    %broadcast_in_dim3A_668 = vector.broadcast %jit3A_667 : i32 to vector<8x4096xi32>
    %select_n3A_669 = arith.select %gt3A_665, %broadcast_in_dim3A_668, %select_n3A_663 : vector<8x4096xi1>, vector<8x4096xi32>
    %slice3A_670 = vector.extract_strided_slice %sub3A_633 {offsets = [48, 0], sizes = [8, 4096], strides = [1, 1]} : vector<128x4096xf32> to vector<8x4096xf32>
    %gt3A_671 = arith.cmpf ogt, %slice3A_670, %max3A_666 : vector<8x4096xf32>
    %max3A_672 = arith.maximumf %slice3A_670, %max3A_666 : vector<8x4096xf32>
    %jit3A_673 = arith.constant 102 : i32
    %broadcast_in_dim3A_674 = vector.broadcast %jit3A_673 : i32 to vector<8x4096xi32>
    %select_n3A_675 = arith.select %gt3A_671, %broadcast_in_dim3A_674, %select_n3A_669 : vector<8x4096xi1>, vector<8x4096xi32>
    %slice3A_676 = vector.extract_strided_slice %sub3A_633 {offsets = [56, 0], sizes = [8, 4096], strides = [1, 1]} : vector<128x4096xf32> to vector<8x4096xf32>
    %gt3A_677 = arith.cmpf ogt, %slice3A_676, %max3A_672 : vector<8x4096xf32>
    %max3A_678 = arith.maximumf %slice3A_676, %max3A_672 : vector<8x4096xf32>
    %jit3A_679 = arith.constant 103 : i32
    %broadcast_in_dim3A_680 = vector.broadcast %jit3A_679 : i32 to vector<8x4096xi32>
    %select_n3A_681 = arith.select %gt3A_677, %broadcast_in_dim3A_680, %select_n3A_675 : vector<8x4096xi1>, vector<8x4096xi32>
    %slice3A_682 = vector.extract_strided_slice %sub3A_633 {offsets = [64, 0], sizes = [8, 4096], strides = [1, 1]} : vector<128x4096xf32> to vector<8x4096xf32>
    %gt3A_683 = arith.cmpf ogt, %slice3A_682, %max3A_678 : vector<8x4096xf32>
    %max3A_684 = arith.maximumf %slice3A_682, %max3A_678 : vector<8x4096xf32>
    %jit3A_685 = arith.constant 104 : i32
    %broadcast_in_dim3A_686 = vector.broadcast %jit3A_685 : i32 to vector<8x4096xi32>
    %select_n3A_687 = arith.select %gt3A_683, %broadcast_in_dim3A_686, %select_n3A_681 : vector<8x4096xi1>, vector<8x4096xi32>
    %slice3A_688 = vector.extract_strided_slice %sub3A_633 {offsets = [72, 0], sizes = [8, 4096], strides = [1, 1]} : vector<128x4096xf32> to vector<8x4096xf32>
    %gt3A_689 = arith.cmpf ogt, %slice3A_688, %max3A_684 : vector<8x4096xf32>
    %max3A_690 = arith.maximumf %slice3A_688, %max3A_684 : vector<8x4096xf32>
    %jit3A_691 = arith.constant 105 : i32
    %broadcast_in_dim3A_692 = vector.broadcast %jit3A_691 : i32 to vector<8x4096xi32>
    %select_n3A_693 = arith.select %gt3A_689, %broadcast_in_dim3A_692, %select_n3A_687 : vector<8x4096xi1>, vector<8x4096xi32>
    %slice3A_694 = vector.extract_strided_slice %sub3A_633 {offsets = [80, 0], sizes = [8, 4096], strides = [1, 1]} : vector<128x4096xf32> to vector<8x4096xf32>
    %gt3A_695 = arith.cmpf ogt, %slice3A_694, %max3A_690 : vector<8x4096xf32>
    %max3A_696 = arith.maximumf %slice3A_694, %max3A_690 : vector<8x4096xf32>
    %jit3A_697 = arith.constant 106 : i32
    %broadcast_in_dim3A_698 = vector.broadcast %jit3A_697 : i32 to vector<8x4096xi32>
    %select_n3A_699 = arith.select %gt3A_695, %broadcast_in_dim3A_698, %select_n3A_693 : vector<8x4096xi1>, vector<8x4096xi32>
    %slice3A_700 = vector.extract_strided_slice %sub3A_633 {offsets = [88, 0], sizes = [8, 4096], strides = [1, 1]} : vector<128x4096xf32> to vector<8x4096xf32>
    %gt3A_701 = arith.cmpf ogt, %slice3A_700, %max3A_696 : vector<8x4096xf32>
    %max3A_702 = arith.maximumf %slice3A_700, %max3A_696 : vector<8x4096xf32>
    %jit3A_703 = arith.constant 107 : i32
    %broadcast_in_dim3A_704 = vector.broadcast %jit3A_703 : i32 to vector<8x4096xi32>
    %select_n3A_705 = arith.select %gt3A_701, %broadcast_in_dim3A_704, %select_n3A_699 : vector<8x4096xi1>, vector<8x4096xi32>
    %slice3A_706 = vector.extract_strided_slice %sub3A_633 {offsets = [96, 0], sizes = [8, 4096], strides = [1, 1]} : vector<128x4096xf32> to vector<8x4096xf32>
    %gt3A_707 = arith.cmpf ogt, %slice3A_706, %max3A_702 : vector<8x4096xf32>
    %max3A_708 = arith.maximumf %slice3A_706, %max3A_702 : vector<8x4096xf32>
    %jit3A_709 = arith.constant 108 : i32
    %broadcast_in_dim3A_710 = vector.broadcast %jit3A_709 : i32 to vector<8x4096xi32>
    %select_n3A_711 = arith.select %gt3A_707, %broadcast_in_dim3A_710, %select_n3A_705 : vector<8x4096xi1>, vector<8x4096xi32>
    %slice3A_712 = vector.extract_strided_slice %sub3A_633 {offsets = [104, 0], sizes = [8, 4096], strides = [1, 1]} : vector<128x4096xf32> to vector<8x4096xf32>
    %gt3A_713 = arith.cmpf ogt, %slice3A_712, %max3A_708 : vector<8x4096xf32>
    %max3A_714 = arith.maximumf %slice3A_712, %max3A_708 : vector<8x4096xf32>
    %jit3A_715 = arith.constant 109 : i32
    %broadcast_in_dim3A_716 = vector.broadcast %jit3A_715 : i32 to vector<8x4096xi32>
    %select_n3A_717 = arith.select %gt3A_713, %broadcast_in_dim3A_716, %select_n3A_711 : vector<8x4096xi1>, vector<8x4096xi32>
    %slice3A_718 = vector.extract_strided_slice %sub3A_633 {offsets = [112, 0], sizes = [8, 4096], strides = [1, 1]} : vector<128x4096xf32> to vector<8x4096xf32>
    %gt3A_719 = arith.cmpf ogt, %slice3A_718, %max3A_714 : vector<8x4096xf32>
    %max3A_720 = arith.maximumf %slice3A_718, %max3A_714 : vector<8x4096xf32>
    %jit3A_721 = arith.constant 110 : i32
    %broadcast_in_dim3A_722 = vector.broadcast %jit3A_721 : i32 to vector<8x4096xi32>
    %select_n3A_723 = arith.select %gt3A_719, %broadcast_in_dim3A_722, %select_n3A_717 : vector<8x4096xi1>, vector<8x4096xi32>
    %slice3A_724 = vector.extract_strided_slice %sub3A_633 {offsets = [120, 0], sizes = [8, 4096], strides = [1, 1]} : vector<128x4096xf32> to vector<8x4096xf32>
    %gt3A_725 = arith.cmpf ogt, %slice3A_724, %max3A_720 : vector<8x4096xf32>
    %max3A_726 = arith.maximumf %slice3A_724, %max3A_720 : vector<8x4096xf32>
    %jit3A_727 = arith.constant 111 : i32
    %broadcast_in_dim3A_728 = vector.broadcast %jit3A_727 : i32 to vector<8x4096xi32>
    %select_n3A_729 = arith.select %gt3A_725, %broadcast_in_dim3A_728, %select_n3A_723 : vector<8x4096xi1>, vector<8x4096xi32>
    %slice3A_730 = vector.extract_strided_slice %mul3A_6 {offsets = [896, 0], sizes = [128, 128], strides = [1, 1]} : vector<1024x128xf32> to vector<128x128xf32>
    %dot_general3A_731 = arith.constant dense<0.000000e+00> : vector<128x4096xf32>
    %dot_general3A_732 = tpu.matmul %slice3A_730, %get3A_4, %dot_general3A_731 {dimension_numbers = #tpu.dot_dimension_numbers<[1], [1], [0], [0], [0, 0, 1, 0], [], []>, transpose_lhs_hint = false} : vector<128x128xf32>, vector<4096x128xf32>, vector<128x4096xf32> -> vector<128x4096xf32>
    %sub3A_733 = vector.broadcast %get3A_9 : vector<1x4096xf32> to vector<128x4096xf32>
    %sub3A_734 = arith.subf %dot_general3A_732, %sub3A_733 : vector<128x4096xf32>
    %slice3A_735 = vector.extract_strided_slice %get3A_12 {offsets = [896, 0], sizes = [128, 1], strides = [1, 1]} : vector<1024x1xf32> to vector<128x1xf32>
    %sub3A_736 = vector.broadcast %slice3A_735 : vector<128x1xf32> to vector<128x4096xf32>
    %sub3A_737 = arith.subf %sub3A_734, %sub3A_736 : vector<128x4096xf32>
    %slice3A_738 = vector.extract_strided_slice %sub3A_737 {offsets = [0, 0], sizes = [8, 4096], strides = [1, 1]} : vector<128x4096xf32> to vector<8x4096xf32>
    %gt3A_739 = arith.cmpf ogt, %slice3A_738, %max3A_726 : vector<8x4096xf32>
    %max3A_740 = arith.maximumf %slice3A_738, %max3A_726 : vector<8x4096xf32>
    %jit3A_741 = arith.constant 112 : i32
    %broadcast_in_dim3A_742 = vector.broadcast %jit3A_741 : i32 to vector<8x4096xi32>
    %select_n3A_743 = arith.select %gt3A_739, %broadcast_in_dim3A_742, %select_n3A_729 : vector<8x4096xi1>, vector<8x4096xi32>
    %slice3A_744 = vector.extract_strided_slice %sub3A_737 {offsets = [8, 0], sizes = [8, 4096], strides = [1, 1]} : vector<128x4096xf32> to vector<8x4096xf32>
    %gt3A_745 = arith.cmpf ogt, %slice3A_744, %max3A_740 : vector<8x4096xf32>
    %max3A_746 = arith.maximumf %slice3A_744, %max3A_740 : vector<8x4096xf32>
    %jit3A_747 = arith.constant 113 : i32
    %broadcast_in_dim3A_748 = vector.broadcast %jit3A_747 : i32 to vector<8x4096xi32>
    %select_n3A_749 = arith.select %gt3A_745, %broadcast_in_dim3A_748, %select_n3A_743 : vector<8x4096xi1>, vector<8x4096xi32>
    %slice3A_750 = vector.extract_strided_slice %sub3A_737 {offsets = [16, 0], sizes = [8, 4096], strides = [1, 1]} : vector<128x4096xf32> to vector<8x4096xf32>
    %gt3A_751 = arith.cmpf ogt, %slice3A_750, %max3A_746 : vector<8x4096xf32>
    %max3A_752 = arith.maximumf %slice3A_750, %max3A_746 : vector<8x4096xf32>
    %jit3A_753 = arith.constant 114 : i32
    %broadcast_in_dim3A_754 = vector.broadcast %jit3A_753 : i32 to vector<8x4096xi32>
    %select_n3A_755 = arith.select %gt3A_751, %broadcast_in_dim3A_754, %select_n3A_749 : vector<8x4096xi1>, vector<8x4096xi32>
    %slice3A_756 = vector.extract_strided_slice %sub3A_737 {offsets = [24, 0], sizes = [8, 4096], strides = [1, 1]} : vector<128x4096xf32> to vector<8x4096xf32>
    %gt3A_757 = arith.cmpf ogt, %slice3A_756, %max3A_752 : vector<8x4096xf32>
    %max3A_758 = arith.maximumf %slice3A_756, %max3A_752 : vector<8x4096xf32>
    %jit3A_759 = arith.constant 115 : i32
    %broadcast_in_dim3A_760 = vector.broadcast %jit3A_759 : i32 to vector<8x4096xi32>
    %select_n3A_761 = arith.select %gt3A_757, %broadcast_in_dim3A_760, %select_n3A_755 : vector<8x4096xi1>, vector<8x4096xi32>
    %slice3A_762 = vector.extract_strided_slice %sub3A_737 {offsets = [32, 0], sizes = [8, 4096], strides = [1, 1]} : vector<128x4096xf32> to vector<8x4096xf32>
    %gt3A_763 = arith.cmpf ogt, %slice3A_762, %max3A_758 : vector<8x4096xf32>
    %max3A_764 = arith.maximumf %slice3A_762, %max3A_758 : vector<8x4096xf32>
    %jit3A_765 = arith.constant 116 : i32
    %broadcast_in_dim3A_766 = vector.broadcast %jit3A_765 : i32 to vector<8x4096xi32>
    %select_n3A_767 = arith.select %gt3A_763, %broadcast_in_dim3A_766, %select_n3A_761 : vector<8x4096xi1>, vector<8x4096xi32>
    %slice3A_768 = vector.extract_strided_slice %sub3A_737 {offsets = [40, 0], sizes = [8, 4096], strides = [1, 1]} : vector<128x4096xf32> to vector<8x4096xf32>
    %gt3A_769 = arith.cmpf ogt, %slice3A_768, %max3A_764 : vector<8x4096xf32>
    %max3A_770 = arith.maximumf %slice3A_768, %max3A_764 : vector<8x4096xf32>
    %jit3A_771 = arith.constant 117 : i32
    %broadcast_in_dim3A_772 = vector.broadcast %jit3A_771 : i32 to vector<8x4096xi32>
    %select_n3A_773 = arith.select %gt3A_769, %broadcast_in_dim3A_772, %select_n3A_767 : vector<8x4096xi1>, vector<8x4096xi32>
    %slice3A_774 = vector.extract_strided_slice %sub3A_737 {offsets = [48, 0], sizes = [8, 4096], strides = [1, 1]} : vector<128x4096xf32> to vector<8x4096xf32>
    %gt3A_775 = arith.cmpf ogt, %slice3A_774, %max3A_770 : vector<8x4096xf32>
    %max3A_776 = arith.maximumf %slice3A_774, %max3A_770 : vector<8x4096xf32>
    %jit3A_777 = arith.constant 118 : i32
    %broadcast_in_dim3A_778 = vector.broadcast %jit3A_777 : i32 to vector<8x4096xi32>
    %select_n3A_779 = arith.select %gt3A_775, %broadcast_in_dim3A_778, %select_n3A_773 : vector<8x4096xi1>, vector<8x4096xi32>
    %slice3A_780 = vector.extract_strided_slice %sub3A_737 {offsets = [56, 0], sizes = [8, 4096], strides = [1, 1]} : vector<128x4096xf32> to vector<8x4096xf32>
    %gt3A_781 = arith.cmpf ogt, %slice3A_780, %max3A_776 : vector<8x4096xf32>
    %max3A_782 = arith.maximumf %slice3A_780, %max3A_776 : vector<8x4096xf32>
    %jit3A_783 = arith.constant 119 : i32
    %broadcast_in_dim3A_784 = vector.broadcast %jit3A_783 : i32 to vector<8x4096xi32>
    %select_n3A_785 = arith.select %gt3A_781, %broadcast_in_dim3A_784, %select_n3A_779 : vector<8x4096xi1>, vector<8x4096xi32>
    %slice3A_786 = vector.extract_strided_slice %sub3A_737 {offsets = [64, 0], sizes = [8, 4096], strides = [1, 1]} : vector<128x4096xf32> to vector<8x4096xf32>
    %gt3A_787 = arith.cmpf ogt, %slice3A_786, %max3A_782 : vector<8x4096xf32>
    %max3A_788 = arith.maximumf %slice3A_786, %max3A_782 : vector<8x4096xf32>
    %jit3A_789 = arith.constant 120 : i32
    %broadcast_in_dim3A_790 = vector.broadcast %jit3A_789 : i32 to vector<8x4096xi32>
    %select_n3A_791 = arith.select %gt3A_787, %broadcast_in_dim3A_790, %select_n3A_785 : vector<8x4096xi1>, vector<8x4096xi32>
    %slice3A_792 = vector.extract_strided_slice %sub3A_737 {offsets = [72, 0], sizes = [8, 4096], strides = [1, 1]} : vector<128x4096xf32> to vector<8x4096xf32>
    %gt3A_793 = arith.cmpf ogt, %slice3A_792, %max3A_788 : vector<8x4096xf32>
    %max3A_794 = arith.maximumf %slice3A_792, %max3A_788 : vector<8x4096xf32>
    %jit3A_795 = arith.constant 121 : i32
    %broadcast_in_dim3A_796 = vector.broadcast %jit3A_795 : i32 to vector<8x4096xi32>
    %select_n3A_797 = arith.select %gt3A_793, %broadcast_in_dim3A_796, %select_n3A_791 : vector<8x4096xi1>, vector<8x4096xi32>
    %slice3A_798 = vector.extract_strided_slice %sub3A_737 {offsets = [80, 0], sizes = [8, 4096], strides = [1, 1]} : vector<128x4096xf32> to vector<8x4096xf32>
    %gt3A_799 = arith.cmpf ogt, %slice3A_798, %max3A_794 : vector<8x4096xf32>
    %max3A_800 = arith.maximumf %slice3A_798, %max3A_794 : vector<8x4096xf32>
    %jit3A_801 = arith.constant 122 : i32
    %broadcast_in_dim3A_802 = vector.broadcast %jit3A_801 : i32 to vector<8x4096xi32>
    %select_n3A_803 = arith.select %gt3A_799, %broadcast_in_dim3A_802, %select_n3A_797 : vector<8x4096xi1>, vector<8x4096xi32>
    %slice3A_804 = vector.extract_strided_slice %sub3A_737 {offsets = [88, 0], sizes = [8, 4096], strides = [1, 1]} : vector<128x4096xf32> to vector<8x4096xf32>
    %gt3A_805 = arith.cmpf ogt, %slice3A_804, %max3A_800 : vector<8x4096xf32>
    %max3A_806 = arith.maximumf %slice3A_804, %max3A_800 : vector<8x4096xf32>
    %jit3A_807 = arith.constant 123 : i32
    %broadcast_in_dim3A_808 = vector.broadcast %jit3A_807 : i32 to vector<8x4096xi32>
    %select_n3A_809 = arith.select %gt3A_805, %broadcast_in_dim3A_808, %select_n3A_803 : vector<8x4096xi1>, vector<8x4096xi32>
    %slice3A_810 = vector.extract_strided_slice %sub3A_737 {offsets = [96, 0], sizes = [8, 4096], strides = [1, 1]} : vector<128x4096xf32> to vector<8x4096xf32>
    %gt3A_811 = arith.cmpf ogt, %slice3A_810, %max3A_806 : vector<8x4096xf32>
    %max3A_812 = arith.maximumf %slice3A_810, %max3A_806 : vector<8x4096xf32>
    %jit3A_813 = arith.constant 124 : i32
    %broadcast_in_dim3A_814 = vector.broadcast %jit3A_813 : i32 to vector<8x4096xi32>
    %select_n3A_815 = arith.select %gt3A_811, %broadcast_in_dim3A_814, %select_n3A_809 : vector<8x4096xi1>, vector<8x4096xi32>
    %slice3A_816 = vector.extract_strided_slice %sub3A_737 {offsets = [104, 0], sizes = [8, 4096], strides = [1, 1]} : vector<128x4096xf32> to vector<8x4096xf32>
    %gt3A_817 = arith.cmpf ogt, %slice3A_816, %max3A_812 : vector<8x4096xf32>
    %max3A_818 = arith.maximumf %slice3A_816, %max3A_812 : vector<8x4096xf32>
    %jit3A_819 = arith.constant 125 : i32
    %broadcast_in_dim3A_820 = vector.broadcast %jit3A_819 : i32 to vector<8x4096xi32>
    %select_n3A_821 = arith.select %gt3A_817, %broadcast_in_dim3A_820, %select_n3A_815 : vector<8x4096xi1>, vector<8x4096xi32>
    %slice3A_822 = vector.extract_strided_slice %sub3A_737 {offsets = [112, 0], sizes = [8, 4096], strides = [1, 1]} : vector<128x4096xf32> to vector<8x4096xf32>
    %gt3A_823 = arith.cmpf ogt, %slice3A_822, %max3A_818 : vector<8x4096xf32>
    %max3A_824 = arith.maximumf %slice3A_822, %max3A_818 : vector<8x4096xf32>
    %jit3A_825 = arith.constant 126 : i32
    %broadcast_in_dim3A_826 = vector.broadcast %jit3A_825 : i32 to vector<8x4096xi32>
    %select_n3A_827 = arith.select %gt3A_823, %broadcast_in_dim3A_826, %select_n3A_821 : vector<8x4096xi1>, vector<8x4096xi32>
    %slice3A_828 = vector.extract_strided_slice %sub3A_737 {offsets = [120, 0], sizes = [8, 4096], strides = [1, 1]} : vector<128x4096xf32> to vector<8x4096xf32>
    %gt3A_829 = arith.cmpf ogt, %slice3A_828, %max3A_824 : vector<8x4096xf32>
    %max3A_830 = arith.maximumf %slice3A_828, %max3A_824 : vector<8x4096xf32>
    %jit3A_831 = arith.constant 127 : i32
    %broadcast_in_dim3A_832 = vector.broadcast %jit3A_831 : i32 to vector<8x4096xi32>
    %select_n3A_833 = arith.select %gt3A_829, %broadcast_in_dim3A_832, %select_n3A_827 : vector<8x4096xi1>, vector<8x4096xi32>
    %mul3A_834 = arith.constant 8 : i32
    %mul3A_835 = vector.broadcast %mul3A_834 : i32 to vector<8x4096xi32>
    %mul3A_836 = arith.muli %select_n3A_833, %mul3A_835 : vector<8x4096xi32>
    %iota3A = tpu.iota {dimensions = array<i32: 0>} : vector<8x4096xi32>
    %add3A = arith.addi %mul3A_836, %iota3A : vector<8x4096xi32>
    %reduce_max3A = arith.constant dense<0xFF800000> : vector<4096xf32>
    %reduce_max3A_837 = vector.multi_reduction <maximumf>, %max3A_830, %reduce_max3A [0] : vector<8x4096xf32> to vector<4096xf32>
    %broadcast_in_dim3A_838 = vector.shape_cast %reduce_max3A_837 : vector<4096xf32> to vector<1x4096xf32>
    %eq3A = vector.broadcast %broadcast_in_dim3A_838 : vector<1x4096xf32> to vector<8x4096xf32>
    %eq3A_839 = arith.cmpf oeq, %max3A_830, %eq3A : vector<8x4096xf32>
    %jit3A_840 = arith.constant 1024 : i32
    %broadcast_in_dim3A_841 = vector.broadcast %jit3A_840 : i32 to vector<8x4096xi32>
    %select_n3A_842 = arith.select %eq3A_839, %add3A, %broadcast_in_dim3A_841 : vector<8x4096xi1>, vector<8x4096xi32>
    %reduce_min3A = arith.constant dense<2147483647> : vector<4096xi32>
    %reduce_min3A_843 = vector.multi_reduction <minsi>, %select_n3A_842, %reduce_min3A [0] : vector<8x4096xi32> to vector<4096xi32>
    %swap3A = arith.constant 0 : index
    %swap3A_844 = arith.constant 0 : index
    %swap3A_845 = arith.constant 0 : index
    %swap3A_846 = vector.load %arg5[%swap3A, %swap3A_844, %swap3A_845] : memref<1x1x4096xi32, #tpu.memory_space<vmem>>, vector<1x1x4096xi32>
    %swap3A_847 = vector.shape_cast %swap3A_846 : vector<1x1x4096xi32> to vector<4096xi32>
    %swap3A_848 = vector.shape_cast %reduce_min3A_843 : vector<4096xi32> to vector<1x1x4096xi32>
    tpu.vector_store %arg5[%swap3A, %swap3A_844, %swap3A_845], %swap3A_848 {strides = array<i32>} : memref<1x1x4096xi32, #tpu.memory_space<vmem>>, vector<1x1x4096xi32>,
    return
  }
  func.func @transform_0(%arg0: i32) -> (i32, i32) {
    %c0_i32 = arith.constant 0 : i32
    %c0_i32_0 = arith.constant 0 : i32
    return %arg0, %c0_i32 : i32, i32
  }
  func.func @transform_1(%arg0: i32) -> (i32, i32) {
    %c0_i32 = arith.constant 0 : i32
    %c0_i32_0 = arith.constant 0 : i32
    %c0_i32_1 = arith.constant 0 : i32
    return %c0_i32, %c0_i32_0 : i32, i32
  }
  func.func @transform_2(%arg0: i32) -> (i32, i32) {
    %c0_i32 = arith.constant 0 : i32
    %c0_i32_0 = arith.constant 0 : i32
    return %c0_i32, %arg0 : i32, i32
  }
  func.func @transform_3(%arg0: i32) -> (i32, i32) {
    %c0_i32 = arith.constant 0 : i32
    %c0_i32_0 = arith.constant 0 : i32
    %c0_i32_1 = arith.constant 0 : i32
    return %c0_i32, %c0_i32_0 : i32, i32
  }
  func.func @transform_4(%arg0: i32) -> (i32, i32, i32) {
    %c0_i32 = arith.constant 0 : i32
    %c0_i32_0 = arith.constant 0 : i32
    %c0_i32_1 = arith.constant 0 : i32
    return %arg0, %c0_i32, %c0_i32_0 : i32, i32, i32
  }
}

</mosaic_0001>

<sc_bundles>
// kernel: kernel.4.cloned.1.call-start
scs
__scs_entry_jumppad:
0x0: {  	(pc) =	sbr.rel $0x88, $3  }
0x1: {  	(tag) =	ssettag $0x0;
	lr =	simm.s32 $0x1  }
0x2: {  	[smem:$0x3F9F] =	sst lr;
	_ =	strace $0xD0000000  }
0x3: {  	_ = 	snop  }
0x4: {  	_ = 	snop  }
0x5: {  	_ = 	snop  }
0x6: {  	_ = 	snop  }
0x7: {  	_ = 	snop  }
__scs_overlays_trampoline_lowered:
0x8: {  	[smem:$0x3FAE] =	sst s0  }
0x9: {  	[smem:$0x3FAF] =	sst s1  }
0xa: {  	[smem:$0x3FB0] =	sst s2  }
0xb: {  	[smem:$0x3FB1] =	sst s3  }
0xc: {  	[smem:$0x3FB2] =	sst s4  }
0xd: {  	[smem:$0x3FB3] =	sst s5  }
0xe: {  	[smem:$0x3FB4] =	sst s6  }
0xf: {  	[smem:$0x3FB5] =	sst s7  }
0x10: {  	[smem:$0x3FB6] =	sst s8  }
0x11: {  	[smem:$0x3FB7] =	sst s9;
	s0 =	simm.s32 @!p0 $0x0  }
0x12: {  	s1 =	sld [smem:$0x3F9D];
	s0 =	simm.s32 @p0 $0x1  }
0x13: {  	[smem:$0x3FB8] =	sst s0;
	s0 =	simm.s32 @!p1 $0x0  }
0x14: {  	s2 =	sld [smem:$0x3F9C];
	s0 =	simm.s32 @p1 $0x1  }
0x15: {  	[smem:$0x3FB9] =	sst s0;
	s0 =	simm.s32 @!p2 $0x0  }
0x16: {  	s3 =	sld [smem:$0x3FDB];
	s0 =	simm.s32 @p2 $0x1  }
0x17: {  	s4 =	simm.s32 $0x1BF5;
	[smem:$0x3FBB] =	sst s0  }
0x18: {  	s0 =	sld [smem:$0x3F9E];
	_ =	swait.ge [sflag:s4], $0x0  }
0x19: {  	s7 =	sld [smem:$0x3F9F]  }
0x1a: {  	s8 =	sadd.s32 $0xFFFFE003, lr  }
0x1b: {  	s9 =	sadd.s32 $0xFFFFFEF7, lr;
	s5 =	simm.s32 $0xFFFFFFFF;
	p2 =	slt.u32 s8, $0xFFFFF086  }
0x1c: {  	p1 =	slt.u32 s9, $0xF7A;
	s5 =	simm.s32 @!p2 $0x0  }
0x1d: {  	s5 =	simm.s32 @p1 $0x1;
	p0 =	seq.s32 s7, s2  }
0x1e: {  	s7 =	smul.u32 @!p0 $0xF7A, s2;
	p2 =	seq.s32 @!p0 s5, $0x0  }
0x1f: {  	s9 =	smul.u32 $0xF7A, s1;
	s8 =	simm.s32 @!p0 $0x1BF5;
	p2 =	por !p2, p0  }
0x20: {  	[sflag:s8] =	ssyncset.s32 @!p0 $0xFFFFF086;
	s6 =	sadd.s32 @!p0 s3, s7;
	s7 =	simm.s32 @!p0 $0x108  }
0x21: {  	s3 =	sadd.s32 s3, s9;
	s6 =	sadd.s32 @!p0 $0x88, s6;
	s7 =	simm.s32 @p2 $0x1082  }
0x22: {  	[simem:s7], [sflag:s8] =	dma.local @!p0 [hbm:s6], $0xF7A  }
0x23: {  	s9 =	sor.u32 $0xD0000000, s2;
	s6 =	simm.s32 $0x108;
	_ =	swait.ge @!p0 [sflag:s8], $0x0  }
0x24: {  	s3 =	sadd.s32 $0x88, s3;
	s6 =	simm.s32 @!p1 $0x1082;
	[sflag:s4] =	ssyncset.s32 $0xFFFFF086  }
0x25: {  	[simem:s6], [sflag:s4] =	dma.local [hbm:s3], $0xF7A  }
0x26: {  	[smem:$0x3F9F] =	sst s1;
	(tag) =	ssettag s2;
	_ =	strace s9  }
0x27: {  	s1 =	sld [smem:$0x3FAF]  }
0x28: {  	s2 =	sld [smem:$0x3FB0]  }
0x29: {  	s4 =	sld [smem:$0x3FB2]  }
0x2a: {  	p0 =	seq.s32 s5, $0x0;
	s5 =	sld [smem:$0x3FB3]  }
0x2b: {  	s6 =	sld [smem:$0x3FB4]  }
0x2c: {  	s7 =	sld [smem:$0x3FB5]  }
0x2d: {  	s3 =	simm.s32 $0x108;
	s8 =	sld [smem:$0x3FB6]  }
0x2e: {  	s3 =	simm.s32 @!p0 $0x1082;
	s9 =	sld [smem:$0x3FB7]  }
0x2f: {  	lr =	sadd.s32 s0, s3;
	s0 =	sld [smem:$0x3FAE]  }
0x30: {  	s3 =	sld [smem:$0x3FB1]  }
0x31: {  	[smem:$0x3FBA] =	sst s10  }
0x32: {  	s10 =	sld [smem:$0x3FB8];
	_ =	sdelay $0x3  }
0x33: {  	p0 =	seq.s32 s10, $0x1;
	s10 =	sld [smem:$0x3FBA];
	_ =	sdelay $0x3  }
0x34: {  	[smem:$0x3FBA] =	sst s10  }
0x35: {  	s10 =	sld [smem:$0x3FB9];
	_ =	sdelay $0x3  }
0x36: {  	p1 =	seq.s32 s10, $0x1;
	s10 =	sld [smem:$0x3FBA];
	_ =	sdelay $0x3  }
0x37: {  	[smem:$0x3FBA] =	sst s10  }
0x38: {  	s10 =	sld [smem:$0x3FBB]  }
0x39: {  	_ = 	snop;
	(pc) =	sbr.ind lr, $3  }
0x3a: {  	_ = 	snop  }
0x3b: {  	_ = 	snop  }
0x3c: {  	p2 =	seq.s32 s10, $0x1;
	s10 =	sld [smem:$0x3FBA]  }
0x3d: {  	_ =	shalt  }
0x3e: {  	_ =	shalt  }
0x3f: {  	_ =	shalt  }
0x40: {  	_ =	shalt  }
0x41: {  	_ =	shalt  }
0x42: {  	_ =	shalt  }
0x43: {  	_ =	shalt  }
0x44: {  	_ =	shalt  }
0x45: {  	_ =	shalt  }
0x46: {  	_ =	shalt  }
0x47: {  	_ =	shalt  }
0x48: {  	_ =	shalt  }
0x49: {  	_ =	shalt  }
0x4a: {  	_ =	shalt  }
0x4b: {  	_ =	shalt  }
0x4c: {  	_ =	shalt  }
0x4d: {  	_ =	shalt  }
0x4e: {  	_ =	shalt  }
0x4f: {  	_ =	shalt  }
0x50: {  	_ =	shalt  }
0x51: {  	_ =	shalt  }
0x52: {  	_ =	shalt  }
0x53: {  	_ =	shalt  }
0x54: {  	_ =	shalt  }
0x55: {  	_ =	shalt  }
0x56: {  	_ =	shalt  }
0x57: {  	_ =	shalt  }
0x58: {  	_ =	shalt  }
0x59: {  	_ =	shalt  }
0x5a: {  	_ =	shalt  }
0x5b: {  	_ =	shalt  }
0x5c: {  	_ =	shalt  }
0x5d: {  	_ =	shalt  }
0x5e: {  	_ =	shalt  }
0x5f: {  	_ =	shalt  }
0x60: {  	_ =	shalt  }
0x61: {  	_ =	shalt  }
0x62: {  	_ =	shalt  }
0x63: {  	_ =	shalt  }
0x64: {  	_ =	shalt  }
0x65: {  	_ =	shalt  }
0x66: {  	_ =	shalt  }
0x67: {  	_ =	shalt  }
0x68: {  	_ =	shalt  }
0x69: {  	_ =	shalt  }
0x6a: {  	_ =	shalt  }
0x6b: {  	_ =	shalt  }
0x6c: {  	_ =	shalt  }
0x6d: {  	_ =	shalt  }
0x6e: {  	_ =	shalt  }
0x6f: {  	_ =	shalt  }
0x70: {  	_ =	shalt  }
0x71: {  	_ =	shalt  }
0x72: {  	_ =	shalt  }
0x73: {  	_ =	shalt  }
0x74: {  	_ =	shalt  }
0x75: {  	_ =	shalt  }
0x76: {  	_ =	shalt  }
0x77: {  	_ =	shalt  }
0x78: {  	_ =	shalt  }
0x79: {  	_ =	shalt  }
0x7a: {  	_ =	shalt  }
0x7b: {  	_ =	shalt  }
0x7c: {  	_ =	shalt  }
0x7d: {  	_ =	shalt  }
0x7e: {  	_ =	shalt  }
0x7f: {  	_ =	shalt  }
0x80: {  	_ =	shalt  }
0x81: {  	_ =	shalt  }
0x82: {  	_ =	shalt  }
0x83: {  	_ =	shalt  }
0x84: {  	_ =	shalt  }
0x85: {  	_ =	shalt  }
0x86: {  	_ =	shalt  }
0x87: {  	_ =	shalt  }
.Lfunc_end0:
.L_simem_size_0:
called_computation_lowered:
.L_overlay_start_0:
0x88: {  	s2 =	sld [smem:$0x3FD9]  }
0x89: {  	s3 =	sld [smem:$0x3FFE];
	_ =	sdelay $0x1  }
0x8a: {  	s1 =	srdreg.scid  }
0x8b: {  	s0 =	sand.u32 $0x1, s1  }
0x8c: {  	s17 =	sshll.u32 s0, $0xA;
	s2 =	sadd.s32 s3, s2  }
0x8d: {  	s2 =	sadd.s32 s2, s17  }
0x8e: {  	[smem:$0x3FC6] =	sst s2  }
0x8f: {  	_ = 	snop  }
0x90: {  	s2 =	sld [smem:$0x3FC8]  }
0x91: {  	s18 =	sld [smem:$0x3FD0];
	(tm) =	ssettm $0x1  }
0x92: {  	s4 =	sld [smem:$0x3FFB];
	_ =	sdelay $0x3  }
0x93: {  	_ =	strace s4  }
0x94: {  	s4 =	sld [smem:$0x3FFC];
	_ =	sdelay $0x3  }
0x95: {  	_ =	strace s4  }
0x96: {  	s4 =	sld [smem:$0x3FFD];
	_ =	sdelay $0x3  }
0x97: {  	_ =	strace s4  }
0x98: {  	_ =	strace $0x8FFFFFFF  }
0x99: {  	s19 =	sld [smem:$0x3FDB];
	_ =	sdelay $0x1  }
0x9a: {  	s5 =	simm.s32 $_scs_section_size  }
0x9b: {  	s6 =	simm.s32 $_size__tile_overlayer_lowered;
	s7 =	simm.s32 $_tile_overlayer_lowered  }
0x9c: {  	s22 =	simm.s32 $0x1BFF;
	s21 =	sshll.u32 s7, $0x1;
	s4 =	sadd.s32 s5, s19  }
0x9d: {  	s8 =	simm.s32 $0x0;
	s20 =	sshll.u32 s6, $0x1;
	s6 =	sadd.s32 s21, s4  }
0x9e: {  	[timem:s8], [sflag:s22] =	dma.local [hbm:s6], s20  }
0x9f: {  	_ =	swait.ge [sflag:s22], s20  }
0xa0: {  	s5 =	ssub.s32 $0x0, s20;
	[sflag:s22] =	ssyncset.done $0x0  }
0xa1: {  	[sflag:s22] =	ssyncadd.s32 s5;
	_ =	sdelay $0x1  }
0xa2: {  	s23 =	simm.s32 $0x1B8B  }
0xa3: {  	_ =	swait.ge [sflag:s23], $0x1  }
0xa4: {  	[sflag:s23] =	ssyncset.done $0x0  }
0xa5: {  	s25 =	simm.s32 $0x1B8E;
	s24 =	sld [smem:$0x3FFE];
	[sflag:s23] =	ssyncadd.s32 $0xFFFFFFFF  }
0xa6: {  	s26 =	simm.s32 $execute0_lowered;
	[smem:$0x3FD2] =	sst s25  }
0xa7: {  	s6 =	sshll.u32 s26, $0x1;
	_ =	strace $0x80000046;
	[dreg:$0x1] =	wrdreg $0xFFFFFFFF  }
0xa8: {  	s28 =	simm.s32 $_size_execute0_lowered;
	s4 =	sadd.s32 s4, s6;
	[dreg:$0x0] =	wrdreg $0x0  }
0xa9: {  	s6 =	sshll.u32 s28, $0x1;
	[dreg:$0x2] =	wrdreg s4  }
0xaa: {  	[dreg:$0x3] =	wrdreg s6  }
0xab: {  	[dreg:$0x4] =	wrdreg $0xC0  }
0xac: {  	_ =	task [dreg:s8], $0x5FFFF  }
0xad: {  	[dreg:$0x1] =	wrdreg $0xFFFFFFFF  }
0xae: {  	[dreg:$0x0] =	wrdreg $0x60  }
0xaf: {  	[dreg:$0x2] =	wrdreg s2  }
0xb0: {  	[dreg:$0x3] =	wrdreg s24  }
0xb1: {  	[dreg:$0x4] =	wrdreg s18  }
0xb2: {  	[dreg:$0x5] =	wrdreg $0x102000  }
0xb3: {  	[dreg:$0x6] =	wrdreg $0x9  }
0xb4: {  	_ =	task.clear_ibuf [dreg:s8], $0x7FFFF;
	_ =	strace $0x90000046  }
0xb5: {  	s29 =	simm.s32 $0x9;
	_ =	strace $0x80000048  }
0xb6: {  	_ =	swait.ge [sflag:s29], $0x1  }
0xb7: {  	[sflag:s29] =	ssyncadd.s32 $0xFFFFFFFF  }
0xb8: {  	_ =	strace $0x90000048  }
0xb9: {  	_ =	sfence  }
0xba: {  	s30 =	sld [smem:$0x0];
	_ =	sdelay $0x2  }
0xbb: {  	s31 =	sshll.u32 s1, $0xD;
	s1 =	sshrl.u32 s1, $0x2  }
0xbc: {  	s3 =	sand.u32 $0x4000, s31;
	s1 =	sadd.s32 s1, s30  }
0xbd: {  	s0 =	sor.u32 s3, s0;
	s1 =	sshll.u32 s1, $0x11  }
0xbe: {  	s0 =	sor.u32 s1, s0  }
0xbf: {  	s0 =	sadd.s32 $0x8F2B, s0  }
0xc0: {  	[sflag:s0] =	ssyncadd.remote.s32 $0x1  }
0xc1: {  	_ =	sfence.sel $0xFFFF  }
0xc2: {  	[dreg:$0x0] =	wrdreg $0xFFFFFFFF;
	(pc) =	sbr.abs _section_cstart, $3  }
0xc3: {  	[dreg:$0x1] =	wrdreg $0xFFFFFFFF  }
0xc4: {  	_ =	task.clear_ibuf [dreg:s8], $0x2FFFF;
	_ =	strace $0x9FFFFFFF  }
0xc5: {  	(tm) =	ssettm $0x7FFFFFFF  }
tec
execute0_lowered:
.L_overlay_start_1:
0x0: {  	(tag) =	ssettag $0x1  }
0x1: {  	s4 =	rddreg [dreg:$0x0]  }
0x2: {  	s6 =	rddreg [dreg:$0x1]  }
0x3: {  	s18 =	rddreg [dreg:$0x2]  }
0x4: {  	s1 =	rddreg [dreg:$0x3]  }
0x5: {  	s0 =	rddreg [dreg:$0x4];
	s3 =	simm.s32 $0x0;
	s5 =	srdreg.scid  }
0x6: {  	s2 =	stileid.u32;
	[smem:$0x7FF] =	sst s3  }
0x7: {  	s22 =	sand.u32 $0x1, s5;
	s28 =	sshll.u32 s2, $0xA;
	s8 =	sshll.u32 s2, $0xD  }
0x8: {  	s30 =	sshll.u32 s2, $0x6;
	_ =	strace $0x80000047;
	s7 =	sshll.u32 s22, $0x9  }
0x9: {  	s29 =	sadd.s32 s8, s1;
	s4 =	sadd.s32 s4, s28;
	s19 =	sor.u32 s7, s28  }
0xa: {  	s5 =	sor.u32 $0x1C02, s30;
	s7 =	sshrl.u32 s29, $0x3;
	s31 =	sshrl.u32 s19, $0x3  }
0xb: {  	[spmem:s7], [sflag:s5] =	dma.local [hbm:s4], $0x400  }
0xc: {  	s8 =	simm.s32 $0x3;
	s6 =	sadd.s32 s6, s31  }
0xd: {  	[tilespmem:s3], [sflag:$0x3] =	stream.linear.gather [hbm4b:s6+s3], $0x200, $0x38;
	[tilespmem:$0x12200] =	vst v63  }
0xe: {  	_ =	swait.ge [sflag:s8], $0x200  }
0xf: {  	[sflag:s8] =	ssyncset.done $0x0  }
0x10: {  	s9 =	simm.s32 $0x2;
	[sflag:s8] =	ssyncadd.s32 $0xFFFFFE00  }
0x11: {  	_ =	swait.ge [sflag:s9], $0x400  }
0x12: {  	[sflag:s9] =	ssyncset.done $0x0  }
0x13: {  	[sflag:s9] =	ssyncadd.s32 $0xFFFFFC00  }
0x14: {  	s10 =	simm.s32 $0x80;
	s11 =	simm.s32 $0x200;
	[bflag:$0x0] =	sbarrier.arrive $0xFFFF  }
0x15: {  	[tilespmem:s11], [sflag:$0x1] =	stream.indirect.gather [spmem:s1], $0x80, s3, s10, $0xb8;
	[tilespmem:$0x12200] =	vst v63  }
0x16: {  	s12 =	simm.s32 $0x4200  }
0x17: {  	[tilespmem:s12], [sflag:$0x1] =	stream.indirect.gather [spmem:s1], $0x80, s10, s10, $0xb8;
	[tilespmem:$0x12200] =	vst v63  }
0x18: {  	s13 =	simm.s32 $0x100;
	s14 =	simm.s32 $0x8200  }
0x19: {  	[tilespmem:s14], [sflag:$0x1] =	stream.indirect.gather [spmem:s1], $0x80, s13, s10, $0xb8;
	[tilespmem:$0x12200] =	vst v63  }
0x1a: {  	s15 =	simm.s32 $0x180;
	s16 =	simm.s32 $0xC200;
	s17 =	simm.s32 $0x1  }
0x1b: {  	[tilespmem:s16], [sflag:$0x1] =	stream.indirect.gather [spmem:s1], $0x80, s15, s10, $0xb8;
	[tilespmem:$0x12200] =	vst v63  }
0x1c: {  	_ =	swait.ge [sflag:s17], $0x4000  }
0x1d: {  	s19 =	sshll.u32 s19, $0x4;
	[sflag:s17] =	ssyncset.done $0x0  }
0x1e: {  	s18 =	sadd.s32 s18, s19;
	[sflag:s17] =	ssyncadd.s32 $0xFFFFC000  }
0x1f: {  	[hbm4b:s18+s3] =	stream.linear.scatter [tilespmem:s11], [sflag:$0x2], $0x4000, $0x38;
	[tilespmem:$0x12200] =	vst v63  }
0x20: {  	_ =	swait.ge [sflag:s17], $0x4000  }
0x21: {  	[sflag:s17] =	ssyncset.done $0x0  }
0x22: {  	s19 =	sadd.s32 $0x800, s18;
	[sflag:s17] =	ssyncadd.s32 $0xFFFFC000  }
0x23: {  	[hbm4b:s19+s3] =	stream.linear.scatter [tilespmem:s12], [sflag:$0x2], $0x4000, $0x38;
	[tilespmem:$0x12200] =	vst v63  }
0x24: {  	_ =	swait.ge [sflag:s17], $0x4000  }
0x25: {  	[sflag:s17] =	ssyncset.done $0x0  }
0x26: {  	s20 =	sadd.s32 $0x1000, s18;
	[sflag:s17] =	ssyncadd.s32 $0xFFFFC000  }
0x27: {  	[hbm4b:s20+s3] =	stream.linear.scatter [tilespmem:s14], [sflag:$0x2], $0x4000, $0x38;
	[tilespmem:$0x12200] =	vst v63  }
0x28: {  	_ =	swait.ge [sflag:s17], $0x4000  }
0x29: {  	[sflag:s17] =	ssyncset.done $0x0  }
0x2a: {  	s21 =	sadd.s32 $0x1800, s18;
	[sflag:s17] =	ssyncadd.s32 $0xFFFFC000  }
0x2b: {  	[hbm4b:s21+s3] =	stream.linear.scatter [tilespmem:s16], [sflag:$0x2], $0x4000, $0x38;
	[tilespmem:$0x12200] =	vst v63  }
0x2c: {  	_ =	swait.ge [sflag:s9], $0x4000  }
0x2d: {  	s22 =	ssub.s32 $0x2, s22;
	[sflag:s9] =	ssyncset.done $0x0  }
0x2e: {  	s23 =	sshrl.u32 s22, $0x1;
	[sflag:s9] =	ssyncadd.s32 $0xFFFFC000  }
0x2f: {  	s22 =	ssub.s32 s22, s23;
	_ =	swait.ge [sflag:s9], $0x4000  }
0x30: {  	s22 =	smax.u32 s22, $0x1;
	[sflag:s9] =	ssyncset.done $0x0  }
0x31: {  	p0 =	sne.s32 s22, $0x1;
	[sflag:s9] =	ssyncadd.s32 $0xFFFFC000  }
.Ltmp0:
0x32: {  	_ =	swait.ge [sflag:s9], $0x4000;
	(pc) =	sbr.rel @!p0 .LBB2_2-.Ltmp0, $4  }
0x33: {  	[sflag:s9] =	ssyncset.done $0x0  }
0x34: {  	[sflag:s9] =	ssyncadd.s32 $0xFFFFC000  }
0x35: {  	_ =	swait.ge [sflag:s9], $0x4000  }
0x36: {  	s22 =	sadd.s32 $0xFFFFFFFF, s22;
	[sflag:s9] =	ssyncset.done $0x0  }
.LBB2_1:
0x37: {  	p0 =	sne.s32 s22, $0x1;
	s22 =	sadd.s32 $0xFFFFFFFF, s22;
	[sflag:s9] =	ssyncadd.s32 $0xFFFFC000  }
0x38: {  	[spmem:s7], [sflag:s5] =	dma.local [hbm:s4], $0x400  }
0x39: {  	[tilespmem:s3], [sflag:$0x3] =	stream.linear.gather [hbm4b:s6+s3], $0x200, $0x38;
	[tilespmem:$0x12200] =	vst v63  }
0x3a: {  	_ =	swait.ge [sflag:s8], $0x200  }
0x3b: {  	[sflag:s8] =	ssyncset.done $0x0  }
0x3c: {  	[sflag:s8] =	ssyncadd.s32 $0xFFFFFE00  }
0x3d: {  	_ =	swait.ge [sflag:s9], $0x400  }
0x3e: {  	[sflag:s9] =	ssyncset.done $0x0  }
0x3f: {  	[sflag:s9] =	ssyncadd.s32 $0xFFFFFC00  }
0x40: {  	[bflag:$0x0] =	sbarrier.arrive $0xFFFF  }
0x41: {  	[tilespmem:s11], [sflag:$0x1] =	stream.indirect.gather [spmem:s1], $0x80, s3, s10, $0xb8;
	[tilespmem:$0x12200] =	vst v63  }
0x42: {  	_ = 	snop  }
0x43: {  	[tilespmem:s12], [sflag:$0x1] =	stream.indirect.gather [spmem:s1], $0x80, s10, s10, $0xb8;
	[tilespmem:$0x12200] =	vst v63  }
0x44: {  	_ = 	snop  }
0x45: {  	[tilespmem:s14], [sflag:$0x1] =	stream.indirect.gather [spmem:s1], $0x80, s13, s10, $0xb8;
	[tilespmem:$0x12200] =	vst v63  }
0x46: {  	_ = 	snop  }
0x47: {  	[tilespmem:s16], [sflag:$0x1] =	stream.indirect.gather [spmem:s1], $0x80, s15, s10, $0xb8;
	[tilespmem:$0x12200] =	vst v63  }
0x48: {  	_ =	swait.ge [sflag:s17], $0x4000  }
0x49: {  	[sflag:s17] =	ssyncset.done $0x0  }
0x4a: {  	[sflag:s17] =	ssyncadd.s32 $0xFFFFC000  }
0x4b: {  	[hbm4b:s18+s3] =	stream.linear.scatter [tilespmem:s11], [sflag:$0x2], $0x4000, $0x38;
	[tilespmem:$0x12200] =	vst v63  }
0x4c: {  	_ =	swait.ge [sflag:s17], $0x4000  }
0x4d: {  	[sflag:s17] =	ssyncset.done $0x0  }
0x4e: {  	[sflag:s17] =	ssyncadd.s32 $0xFFFFC000  }
0x4f: {  	[hbm4b:s19+s3] =	stream.linear.scatter [tilespmem:s12], [sflag:$0x2], $0x4000, $0x38;
	[tilespmem:$0x12200] =	vst v63  }
0x50: {  	_ =	swait.ge [sflag:s17], $0x4000  }
0x51: {  	[sflag:s17] =	ssyncset.done $0x0  }
0x52: {  	[sflag:s17] =	ssyncadd.s32 $0xFFFFC000  }
0x53: {  	[hbm4b:s20+s3] =	stream.linear.scatter [tilespmem:s14], [sflag:$0x2], $0x4000, $0x38;
	[tilespmem:$0x12200] =	vst v63  }
0x54: {  	_ =	swait.ge [sflag:s17], $0x4000  }
0x55: {  	[sflag:s17] =	ssyncset.done $0x0  }
0x56: {  	[sflag:s17] =	ssyncadd.s32 $0xFFFFC000  }
0x57: {  	[hbm4b:s21+s3] =	stream.linear.scatter [tilespmem:s16], [sflag:$0x2], $0x4000, $0x38;
	[tilespmem:$0x12200] =	vst v63  }
0x58: {  	_ =	swait.ge [sflag:s9], $0x4000  }
0x59: {  	[sflag:s9] =	ssyncset.done $0x0  }
0x5a: {  	[sflag:s9] =	ssyncadd.s32 $0xFFFFC000  }
0x5b: {  	_ =	swait.ge [sflag:s9], $0x4000  }
0x5c: {  	[sflag:s9] =	ssyncset.done $0x0  }
0x5d: {  	[sflag:s9] =	ssyncadd.s32 $0xFFFFC000  }
.Ltmp1:
0x5e: {  	_ =	swait.ge [sflag:s9], $0x4000;
	(pc) =	sbr.rel @p0 .LBB2_1-.Ltmp1, $4  }
0x5f: {  	[sflag:s9] =	ssyncset.done $0x0  }
0x60: {  	[sflag:s9] =	ssyncadd.s32 $0xFFFFC000  }
0x61: {  	_ =	swait.ge [sflag:s9], $0x4000  }
0x62: {  	[sflag:s9] =	ssyncset.done $0x0  }
.LBB2_2:
0x63: {  	[sflag:s9] =	ssyncadd.s32 $0xFFFFC000  }
0x64: {  	_ =	sfence.sel $0x180000  }
0x65: {  	[bflag:$0x0] =	sbarrier.arrive $0xFFFF  }
0x66: {  	p0 =	sne.s32 s2, $0x0;
	_ =	strace $0x90000047  }
0x67: {  	s0 =	sadd.s32 @!p0 $0x100000, s0;
	[bflag:$0x2] =	sbarrier.arrive $0xFFFF  }
0x68: {  	[sflag:s0] =	ssyncadd.tile.s32 @!p0 $0x1;
	_ =	shalt  }
.Lfunc_end2:
_tile_overlayer_lowered:
.L_overlay_start_2:
0x69: {  	(tag) =	ssettag $0x2  }
0x6a: {  	s0 =	rddreg [dreg:$0x0];
	s2 =	stileid.u32  }
0x6b: {  	s1 =	rddreg [dreg:$0x1];
	p0 =	sne.s32 s2, $0x0  }
0x6c: {  	s3 =	rddreg [dreg:$0x2];
	[bflag:$0x3] =	sbarrier.arrive $0xFFFF;
	s2 =	simm.s32 @!p0 $0x1C03  }
0x6d: {  	[timem:s3], [sflag:s2] =	dma.local @!p0 [hbm:s0], s1  }
0x6e: {  	s0 =	simm.s32 @!p0 $0x3  }
0x6f: {  	_ =	swait.ge @!p0 [sflag:s0], s1  }
0x70: {  	s1 =	ssub.s32 @!p0 $0x0, s1;
	[sflag:s0] =	ssyncset.done @!p0 $0x0  }
0x71: {  	[sflag:s0] =	ssyncadd.s32 @!p0 s1  }
0x72: {  	[bflag:$0x3] =	sbarrier.arrive $0xFFFF  }
0x73: {  	_ =	shalt  }

</sc_bundles>
